<compile_context>
chip_gen: v7x
topology: tpu7x:2x2x1
jax: 0.10.2.dev20260603
libtpu: 0.0.44.dev20260713+nightly
codegen_flags: <defaults>
</compile_context>

<pallas_src>
import math

import jax
import jax.numpy as jnp
from jax import lax
from jax.experimental import pallas as pl
from jax.experimental.pallas import tpu as pltpu
from jax.experimental.pallas import tpu_sc as plsc

B, T, D, E, F = 2, 4096, 1024, 16, 4096
N = B * T
CAP = N // E
LANES = 16
FJ = 4
FC = F // FJ


def _cumsum_lanes(x, l128, l64s):
    xb = x.reshape(E, N // 128, 128)
    within = lax.dot_general(
        xb, l128, (((2,), (0,)), ((), ())),
        preferred_element_type=jnp.float32,
    )
    bs = jnp.sum(xb, axis=2)
    bo = lax.dot_general(
        bs, l64s, (((1,), (0,)), ((), ())),
        preferred_element_type=jnp.float32,
    )
    return (within + bo[:, :, None]).reshape(E, N)


def _logits_body(x_ref, w_ref, logits_ref):
    xb = x_ref[...]
    logits_ref[...] = lax.dot_general(
        xb, w_ref[...], (((1,), (0,)), ((), ())),
        preferred_element_type=jnp.float32,
    )


_RB = 1024


def _logits(x_flat, w_router):
    return pl.pallas_call(
        _logits_body,
        grid=(N // _RB,),
        in_specs=[
            pl.BlockSpec((_RB, D), lambda i: (i, 0)),
            pl.BlockSpec((D, E), lambda i: (0, 0)),
        ],
        out_specs=pl.BlockSpec((_RB, E), lambda i: (i, 0)),
        out_shape=jax.ShapeDtypeStruct((N, E), jnp.float32),
    )(x_flat, w_router)


def _router_body(logits_ref, l128_ref, l64s_ref, scores_ref, posn_ref):
    logits = logits_ref[...]
    m = jnp.max(logits, axis=0, keepdims=True)
    p = jnp.exp(logits - m)
    s = jnp.sum(p, axis=0, keepdims=True)
    scores_ne = p / s
    scores = scores_ne.T
    scores_ref[...] = scores

    u = lax.bitcast_convert_type(scores, jnp.int32)

    def bit_step(i, prefix):
        bit = 30 - i
        trial = prefix | lax.shift_left(jnp.int32(1), bit)
        cnt = jnp.sum((u >= trial).astype(jnp.float32), axis=1, keepdims=True)
        return jnp.where(cnt >= float(CAP), trial, prefix)

    prefix = lax.fori_loop(0, 31, bit_step, jnp.zeros((E, 1), jnp.int32))
    thr = lax.bitcast_convert_type(prefix, jnp.float32)

    l128 = l128_ref[...]
    l64s = l64s_ref[...]
    gt = (scores > thr).astype(jnp.float32)
    eq = (scores == thr).astype(jnp.float32)
    c_gt = jnp.sum(gt, axis=1, keepdims=True)
    quota = float(CAP) - c_gt
    eq_rank = _cumsum_lanes(eq, l128, l64s)
    sel = gt + eq * (eq_rank <= quota).astype(jnp.float32)
    pos = _cumsum_lanes(sel, l128, l64s) - 1.0
    posn = jnp.where(sel > 0.0, pos, -1.0).astype(jnp.int32)
    posn_ref[...] = posn


def _router(logits):
    nb = N // 128
    l128 = (jnp.arange(128)[:, None] <= jnp.arange(128)[None, :]).astype(
        jnp.float32)
    l64s = (jnp.arange(nb)[:, None] < jnp.arange(nb)[None, :]).astype(
        jnp.float32)
    return pl.pallas_call(
        _router_body,
        out_shape=(
            jax.ShapeDtypeStruct((E, N), jnp.float32),
            jax.ShapeDtypeStruct((E, N), jnp.int32),
        ),
    )(logits, l128, l64s)


def _compact_body(scores_hbm, posn_hbm, idx_hbm, wts_hbm,
                  score_v, pos_v, idx_v, wts_v):
    cid = lax.axis_index("c")
    sid = lax.axis_index("s")
    wid = sid * 2 + cid

    @pl.when(wid < E)
    def _():
        pltpu.sync_copy(scores_hbm.at[wid], score_v)
        pltpu.sync_copy(posn_hbm.at[wid], pos_v)

        def sel_body(i, _):
            p = pos_v[pl.ds(i * LANES, LANES)]
            m = p >= 0
            tok = lax.iota(jnp.int32, LANES) + i * LANES
            v = score_v[pl.ds(i * LANES, LANES)]
            plsc.store_scatter(idx_v, [p], tok, mask=m)
            plsc.store_scatter(wts_v, [p], v, mask=m)
            return 0

        lax.fori_loop(0, N // LANES, sel_body, 0)
        pltpu.sync_copy(idx_v, idx_hbm.at[wid])
        pltpu.sync_copy(wts_v, wts_hbm.at[wid])


def _compact(scores, posn):
    mesh = plsc.VectorSubcoreMesh(core_axis_name="c", subcore_axis_name="s")
    kern = pl.kernel(
        _compact_body,
        out_type=(
            jax.ShapeDtypeStruct((E, CAP), jnp.int32),
            jax.ShapeDtypeStruct((E, CAP), jnp.float32),
        ),
        mesh=mesh,
        scratch_types=[
            pltpu.VMEM((N,), jnp.float32),
            pltpu.VMEM((N,), jnp.int32),
            pltpu.VMEM((CAP,), jnp.int32),
            pltpu.VMEM((CAP,), jnp.float32),
        ],
        compiler_params=pltpu.CompilerParams(needs_layout_passes=False),
    )
    return kern(scores, posn)


_G_ROWS = N // 32
_G_CHUNK = 32


def _gather_body(x_hbm, idx_hbm, disp_hbm, idx_v, buf0, buf1, sem0, sem1):
    cid = lax.axis_index("c")
    sid = lax.axis_index("s")
    wid = sid * 2 + cid
    base = wid * _G_ROWS
    pltpu.sync_copy(idx_hbm.at[pl.ds(base, _G_ROWS)], idx_v)

    bufs = (buf0, buf1)
    sems = (sem0, sem1)
    nch = _G_ROWS // _G_CHUNK

    def start(c, b):
        return pltpu.async_copy(
            x_hbm.at[idx_v.at[pl.ds(c * _G_CHUNK, _G_CHUNK)]], bufs[b],
            sems[b])

    cp = start(0, 0)
    for c in range(nch):
        b = c % 2
        cp.wait()
        if c + 1 < nch:
            cp = start(c + 1, 1 - b)
        pltpu.sync_copy(bufs[b],
                        disp_hbm.at[pl.ds(base + c * _G_CHUNK, _G_CHUNK)])


def _gather(x_flat, idx_flat):
    mesh = plsc.VectorSubcoreMesh(core_axis_name="c", subcore_axis_name="s")
    kern = pl.kernel(
        _gather_body,
        out_type=jax.ShapeDtypeStruct((N, D), jnp.float32),
        mesh=mesh,
        scratch_types=[
            pltpu.VMEM((_G_ROWS,), jnp.int32),
            pltpu.VMEM((_G_CHUNK, D), jnp.float32),
            pltpu.VMEM((_G_CHUNK, D), jnp.float32),
            pltpu.SemaphoreType.DMA,
            pltpu.SemaphoreType.DMA,
        ],
    )
    return kern(x_flat, idx_flat)


def _ffn_body(idx_smem, disp_ref, f1w_ref, f1b_ref, f2w_ref, f2b_ref, wts_ref,
              out_ref, acc_ref):
    e = pl.program_id(0)
    fj = pl.program_id(1)

    xv = disp_ref[0].astype(jnp.bfloat16)
    h = jnp.dot(xv, f1w_ref[0].astype(jnp.bfloat16),
                preferred_element_type=jnp.float32)
    h = h + f1b_ref[0, 0][None, :]
    h = 0.5 * h * (1.0 + lax.erf(h * (1.0 / math.sqrt(2.0))))
    part = jnp.dot(h.astype(jnp.bfloat16), f2w_ref[0].astype(jnp.bfloat16),
                   preferred_element_type=jnp.float32)
    part3 = part.reshape(CAP, 8, 128)

    @pl.when(fj == 0)
    def _():
        bias3 = f2b_ref[0, 0].reshape(1, 8, 128)
        acc_ref[...] = part3 + bias3

    @pl.when(fj != 0)
    def _():
        acc_ref[...] = acc_ref[...] + part3

    @pl.when(fj == FJ - 1)
    def _():
        @pl.when(e == 0)
        def _():
            out_ref[...] = jnp.zeros_like(out_ref)

        w = wts_ref[0, 0].reshape(CAP, 1, 1)
        acc_ref[...] = acc_ref[...] * w

        def row_body(c, _):
            tok = idx_smem[e * CAP + c]
            out_ref[tok] = out_ref[tok] + acc_ref[c]
            return 0

        lax.fori_loop(0, CAP, row_body, 0, unroll=16)


def _ffn_scatter(disp, fc1_w, fc1_b, fc2_w, fc2_b, idx_flat, wts):
    disp4 = disp.reshape(E, CAP, D)
    grid = (E, FJ)
    out = pl.pallas_call(
        _ffn_body,
        grid=grid,
        in_specs=[
            pl.BlockSpec(memory_space=pltpu.SMEM),
            pl.BlockSpec((1, CAP, D), lambda e, fj: (e, 0, 0)),
            pl.BlockSpec((1, D, FC), lambda e, fj: (e, 0, fj)),
            pl.BlockSpec((1, 1, FC), lambda e, fj: (e, 0, fj)),
            pl.BlockSpec((1, FC, D), lambda e, fj: (e, fj, 0)),
            pl.BlockSpec((1, 1, D), lambda e, fj: (e, 0, 0)),
            pl.BlockSpec((1, 1, CAP), lambda e, fj: (e, 0, 0)),
        ],
        out_specs=pl.BlockSpec((N, 8, 128), lambda e, fj: (0, 0, 0)),
        out_shape=jax.ShapeDtypeStruct((N, 8, 128), jnp.float32),
        scratch_shapes=[pltpu.VMEM((CAP, 8, 128), jnp.float32)],
        compiler_params=pltpu.CompilerParams(
            vmem_limit_bytes=64 * 1024 * 1024,
        ),
    )(idx_flat, disp4, fc1_w, fc1_b.reshape(E, 1, F), fc2_w,
      fc2_b.reshape(E, 1, D), wts.reshape(E, 1, CAP))
    return out


def kernel(x, W_router, fc1_w, fc1_b, fc2_w, fc2_b):
    x_flat = x.reshape(N, D)
    logits = _logits(x_flat, W_router)
    scores, posn = _router(logits)
    idx, wts = _compact(scores, posn)
    idx_flat = idx.reshape(-1)
    disp = _gather(x_flat, idx_flat)
    out = _ffn_scatter(disp, fc1_w, fc1_b, fc2_w, fc2_b, idx_flat, wts)
    output = out.reshape(B, T, D)
    frac = jnp.float32(CAP) / jnp.float32(N)
    aux_loss = jnp.float32(frac * frac)
    mean_cap_util = jnp.float32(frac)
    return (output, aux_loss, mean_cap_util)

# --- scband reference (transcript-rebuilt; emitter-appended) ---
"""Pipeline reference for scband-expert-choice-layer-25228637897300 (READ-ONLY COPY).

The authoritative reference and input builder live on the scoring server;
editing this copy changes nothing except your own understanding.
"""

import math
import jax, jax.numpy as jnp
import numpy as np


def setup_inputs(seed: int = 0) -> dict:
    key = jax.random.key(seed)
    ks = jax.random.split(key, 6)
    B, T, D, E, F = 2, 4096, 1024, 16, 4096
    x = jax.random.normal(ks[0], (B, T, D), dtype=jnp.float32)
    W_router = jax.random.normal(ks[1], (D, E), dtype=jnp.float32) * (1.0 / math.sqrt(D))
    fc1_w = jax.random.normal(ks[2], (E, D, F), dtype=jnp.float32) * (1.0 / math.sqrt(D))
    fc1_b = jnp.zeros((E, F), dtype=jnp.float32)
    fc2_w = jax.random.normal(ks[3], (E, F, D), dtype=jnp.float32) * (1.0 / math.sqrt(F))
    fc2_b = jnp.zeros((E, D), dtype=jnp.float32)
    return {"x": x, "W_router": W_router, "fc1_w": fc1_w, "fc1_b": fc1_b, "fc2_w": fc2_w, "fc2_b": fc2_b}


def reference(x, W_router, fc1_w, fc1_b, fc2_w, fc2_b):
    B, T, D = x.shape
    E = W_router.shape[1]
    N = B * T
    capacity = max(1, int(math.ceil(1.0 * N / E)))
    x_flat = x.reshape(N, D)
    router_logits = x_flat @ W_router  # (N, E)
    # expert-choice routing: softmax over tokens (dim=0), each expert picks top-capacity tokens
    router_probs = jax.nn.softmax(router_logits, axis=0)
    scores = router_probs.T  # (E, N)
    expert_weights, token_indices = jax.lax.top_k(scores, capacity)  # (E, cap)
    rows = token_indices.T  # (cap, E)
    cols = jnp.broadcast_to(jnp.arange(E), rows.shape)
    expert_mask = jnp.zeros((N, E), dtype=x.dtype).at[rows, cols].set(1.0)
    # gather tokens per expert, run FFN (Linear -> GELU(erf) -> Linear), weight, scatter-add
    tokens = x_flat[token_indices]  # (E, cap, D)
    h = jax.nn.gelu(jnp.einsum('ecd,edf->ecf', tokens, fc1_w) + fc1_b[:, None, :], approximate=False)
    expert_out = jnp.einsum('ecf,efd->ecd', h, fc2_w) + fc2_b[:, None, :]  # (E, cap, D)
    weighted = expert_weights[..., None] * expert_out
    output_buffer = jnp.zeros((N, D), dtype=x.dtype).at[token_indices.reshape(-1)].add(weighted.reshape(-1, D))
    output = output_buffer.reshape(B, T, D)
    frac = expert_mask.sum(axis=0) / N
    aux_loss = (frac ** 2).mean()
    mean_cap_util = frac.mean()
    return (output, aux_loss, mean_cap_util)

if __name__ == "__main__":
    import jax
    _d = setup_inputs()
    print(jax.jit(kernel)(*tuple(_d.values())))

</pallas_src>

<mosaic_0001>
#map = affine_map<(d0, d1) -> (0, 0)>
module attributes {stable_mosaic.version = 14 : i64} {
  func.func @_compact_body(%arg0: i32, %arg1: i32, %arg2: memref<16x8192xf32, #tpu.memory_space<hbm>>, %arg3: memref<16x8192xi32, #tpu.memory_space<hbm>>, %arg4: memref<16x512xi32, #tpu.memory_space<hbm>>, %arg5: memref<16x512xf32, #tpu.memory_space<hbm>>, %arg6: memref<8192xf32, #tpu.memory_space<vmem>>, %arg7: memref<8192xi32, #tpu.memory_space<vmem>>, %arg8: memref<512xi32, #tpu.memory_space<vmem>>, %arg9: memref<512xf32, #tpu.memory_space<vmem>>) attributes {dimension_semantics = [#tpu.dimension_semantics<core_parallel>, #tpu.dimension_semantics<subcore_parallel>], iteration_bounds = array<i64: 2, 16>, scalar_prefetch = 0 : i64, scratch_operands = 4 : i64, tpu.core_type = #tpu.core_type<sc_vector_subcore>, window_params = [{transform_indices = #map}, {transform_indices = #map}, {transform_indices = #map}, {transform_indices = #map}]} {
    %mul3A = arith.constant 2 : i32
    %mul3A_0 = arith.muli %arg1, %mul3A : i32
    %add3A = arith.addi %mul3A_0, %arg0 : i32
    %lt3A = arith.constant 16 : i32
    %lt3A_1 = arith.cmpi slt, %add3A, %lt3A : i32
    %convert_element_type3A = arith.extui %lt3A_1 : i1 to i32
    %cond3A = arith.constant 0 : i32
    %cond3A_2 = arith.cmpi ne, %convert_element_type3A, %cond3A : i32
    scf.if %cond3A_2 {
      "tpu.region"() ({
        %run_scoped3A = tpu.sem_alloc : memref<!tpu.dma_semaphore, #tpu.memory_space<semaphore_mem>>
        %dma_start3A = arith.constant 0 : i32
        %dma_start3A_9 = tpu.memref_slice %arg2[%add3A, %dma_start3A] : memref<16x8192xf32, #tpu.memory_space<hbm>> -> memref<1x8192xf32, #tpu.memory_space<hbm>>
        %dma_start3A_10 = tpu.memref_squeeze %dma_start3A_9 : memref<1x8192xf32, #tpu.memory_space<hbm>> -> memref<8192xf32, #tpu.memory_space<hbm>>
        %dma_start3A_11 = arith.constant 0 : i32
        %dma_start3A_12 = tpu.memref_slice %arg2[%add3A, %dma_start3A_11] : memref<16x8192xf32, #tpu.memory_space<hbm>> -> memref<1x8192xf32, #tpu.memory_space<hbm>>
        %dma_start3A_13 = tpu.memref_squeeze %dma_start3A_12 : memref<1x8192xf32, #tpu.memory_space<hbm>> -> memref<8192xf32, #tpu.memory_space<hbm>>
        tpu.enqueue_dma source(%dma_start3A_13 : memref<8192xf32, #tpu.memory_space<hbm>>) target(%arg6 : memref<8192xf32, #tpu.memory_space<vmem>>) target_semaphore(%run_scoped3A : memref<!tpu.dma_semaphore, #tpu.memory_space<semaphore_mem>>)
        %dma_wait3A = arith.constant 0 : i32
        %dma_wait3A_14 = tpu.memref_slice %arg2[%add3A, %dma_wait3A] : memref<16x8192xf32, #tpu.memory_space<hbm>> -> memref<1x8192xf32, #tpu.memory_space<hbm>>
        %dma_wait3A_15 = tpu.memref_squeeze %dma_wait3A_14 : memref<1x8192xf32, #tpu.memory_space<hbm>> -> memref<8192xf32, #tpu.memory_space<hbm>>
        %dma_wait3A_16 = arith.constant 0 : i32
        %dma_wait3A_17 = tpu.memref_slice %arg2[%add3A, %dma_wait3A_16] : memref<16x8192xf32, #tpu.memory_space<hbm>> -> memref<1x8192xf32, #tpu.memory_space<hbm>>
        %dma_wait3A_18 = tpu.memref_squeeze %dma_wait3A_17 : memref<1x8192xf32, #tpu.memory_space<hbm>> -> memref<8192xf32, #tpu.memory_space<hbm>>
        tpu.wait_dma2 semaphore(%run_scoped3A : memref<!tpu.dma_semaphore, #tpu.memory_space<semaphore_mem>>) src(%dma_wait3A_18 : memref<8192xf32, #tpu.memory_space<hbm>>) dst(%arg6 : memref<8192xf32, #tpu.memory_space<vmem>>)
        tpu.yield
      }) : () -> ()
      "tpu.region"() ({
        %run_scoped3A = tpu.sem_alloc : memref<!tpu.dma_semaphore, #tpu.memory_space<semaphore_mem>>
        %dma_start3A = arith.constant 0 : i32
        %dma_start3A_9 = tpu.memref_slice %arg3[%add3A, %dma_start3A] : memref<16x8192xi32, #tpu.memory_space<hbm>> -> memref<1x8192xi32, #tpu.memory_space<hbm>>
        %dma_start3A_10 = tpu.memref_squeeze %dma_start3A_9 : memref<1x8192xi32, #tpu.memory_space<hbm>> -> memref<8192xi32, #tpu.memory_space<hbm>>
        %dma_start3A_11 = arith.constant 0 : i32
        %dma_start3A_12 = tpu.memref_slice %arg3[%add3A, %dma_start3A_11] : memref<16x8192xi32, #tpu.memory_space<hbm>> -> memref<1x8192xi32, #tpu.memory_space<hbm>>
        %dma_start3A_13 = tpu.memref_squeeze %dma_start3A_12 : memref<1x8192xi32, #tpu.memory_space<hbm>> -> memref<8192xi32, #tpu.memory_space<hbm>>
        tpu.enqueue_dma source(%dma_start3A_13 : memref<8192xi32, #tpu.memory_space<hbm>>) target(%arg7 : memref<8192xi32, #tpu.memory_space<vmem>>) target_semaphore(%run_scoped3A : memref<!tpu.dma_semaphore, #tpu.memory_space<semaphore_mem>>)
        %dma_wait3A = arith.constant 0 : i32
        %dma_wait3A_14 = tpu.memref_slice %arg3[%add3A, %dma_wait3A] : memref<16x8192xi32, #tpu.memory_space<hbm>> -> memref<1x8192xi32, #tpu.memory_space<hbm>>
        %dma_wait3A_15 = tpu.memref_squeeze %dma_wait3A_14 : memref<1x8192xi32, #tpu.memory_space<hbm>> -> memref<8192xi32, #tpu.memory_space<hbm>>
        %dma_wait3A_16 = arith.constant 0 : i32
        %dma_wait3A_17 = tpu.memref_slice %arg3[%add3A, %dma_wait3A_16] : memref<16x8192xi32, #tpu.memory_space<hbm>> -> memref<1x8192xi32, #tpu.memory_space<hbm>>
        %dma_wait3A_18 = tpu.memref_squeeze %dma_wait3A_17 : memref<1x8192xi32, #tpu.memory_space<hbm>> -> memref<8192xi32, #tpu.memory_space<hbm>>
        tpu.wait_dma2 semaphore(%run_scoped3A : memref<!tpu.dma_semaphore, #tpu.memory_space<semaphore_mem>>) src(%dma_wait3A_18 : memref<8192xi32, #tpu.memory_space<hbm>>) dst(%arg7 : memref<8192xi32, #tpu.memory_space<vmem>>)
        tpu.yield
      }) : () -> ()
      %scan3A = arith.constant 0 : i32
      %scan3A_3 = arith.constant 0 : i32
      %scan3A_4 = arith.constant 512 : i32
      %scan3A_5 = arith.addi %scan3A_3, %scan3A_4 : i32
      %scan3A_6 = arith.constant 1 : i32
      %scan3A_7 = scf.for %scan3A_9 = %scan3A_3 to %scan3A_5 step %scan3A_6 iter_args(%scan3A_10 = %scan3A) -> (i32)  : i32 {
        %mul3A_11 = arith.constant 16 : i32
        %mul3A_12 = arith.muli %scan3A_9, %mul3A_11 : i32
        %get3A = arith.index_cast %mul3A_12 : i32 to index
        %get3A_13 = tpu.vector_load %arg7[%get3A] {strides = array<i32>} : memref<8192xi32, #tpu.memory_space<vmem>>, vector<16xi32>,
        %ge3A = arith.constant 0 : i32
        %ge3A_14 = vector.broadcast %ge3A : i32 to vector<16xi32>
        %ge3A_15 = arith.cmpi sge, %get3A_13, %ge3A_14 : vector<16xi32>
        %iota3A = tpu.iota {dimensions = array<i32: 0>} : vector<16xi32>
        %mul3A_16 = arith.constant 16 : i32
        %mul3A_17 = arith.muli %scan3A_9, %mul3A_16 : i32
        %add3A_18 = vector.broadcast %mul3A_17 : i32 to vector<16xi32>
        %add3A_19 = arith.addi %iota3A, %add3A_18 : vector<16xi32>
        %mul3A_20 = arith.constant 16 : i32
        %mul3A_21 = arith.muli %scan3A_9, %mul3A_20 : i32
        %get3A_22 = arith.index_cast %mul3A_21 : i32 to index
        %get3A_23 = tpu.vector_load %arg6[%get3A_22] {strides = array<i32>} : memref<8192xf32, #tpu.memory_space<vmem>>, vector<16xf32>,
        tpu.vector_store_idx %arg8[%get3A_13], %add3A_19 masked %ge3A_15 : memref<512xi32, #tpu.memory_space<vmem>>[vector<16xi32>], vector<16xi32>, vector<16xi1>
        tpu.vector_store_idx %arg9[%get3A_13], %get3A_23 masked %ge3A_15 : memref<512xf32, #tpu.memory_space<vmem>>[vector<16xi32>], vector<16xf32>, vector<16xi1>
        %scan3A_24 = arith.constant 0 : i32
        scf.yield %scan3A_24 : i32
      }
      %scan3A_8 = arith.constant 512 : i32
      "tpu.region"() ({
        %run_scoped3A = tpu.sem_alloc : memref<!tpu.dma_semaphore, #tpu.memory_space<semaphore_mem>>
        %dma_start3A = arith.constant 0 : i32
        %dma_start3A_9 = tpu.memref_slice %arg4[%add3A, %dma_start3A] : memref<16x512xi32, #tpu.memory_space<hbm>> -> memref<1x512xi32, #tpu.memory_space<hbm>>
        %dma_start3A_10 = tpu.memref_squeeze %dma_start3A_9 : memref<1x512xi32, #tpu.memory_space<hbm>> -> memref<512xi32, #tpu.memory_space<hbm>>
        %dma_start3A_11 = arith.constant 0 : i32
        %dma_start3A_12 = tpu.memref_slice %arg4[%add3A, %dma_start3A_11] : memref<16x512xi32, #tpu.memory_space<hbm>> -> memref<1x512xi32, #tpu.memory_space<hbm>>
        %dma_start3A_13 = tpu.memref_squeeze %dma_start3A_12 : memref<1x512xi32, #tpu.memory_space<hbm>> -> memref<512xi32, #tpu.memory_space<hbm>>
        tpu.enqueue_dma source(%arg8 : memref<512xi32, #tpu.memory_space<vmem>>) target(%dma_start3A_13 : memref<512xi32, #tpu.memory_space<hbm>>) target_semaphore(%run_scoped3A : memref<!tpu.dma_semaphore, #tpu.memory_space<semaphore_mem>>)
        %dma_wait3A = arith.constant 0 : i32
        %dma_wait3A_14 = tpu.memref_slice %arg4[%add3A, %dma_wait3A] : memref<16x512xi32, #tpu.memory_space<hbm>> -> memref<1x512xi32, #tpu.memory_space<hbm>>
        %dma_wait3A_15 = tpu.memref_squeeze %dma_wait3A_14 : memref<1x512xi32, #tpu.memory_space<hbm>> -> memref<512xi32, #tpu.memory_space<hbm>>
        %dma_wait3A_16 = arith.constant 0 : i32
        %dma_wait3A_17 = tpu.memref_slice %arg4[%add3A, %dma_wait3A_16] : memref<16x512xi32, #tpu.memory_space<hbm>> -> memref<1x512xi32, #tpu.memory_space<hbm>>
        %dma_wait3A_18 = tpu.memref_squeeze %dma_wait3A_17 : memref<1x512xi32, #tpu.memory_space<hbm>> -> memref<512xi32, #tpu.memory_space<hbm>>
        tpu.wait_dma2 semaphore(%run_scoped3A : memref<!tpu.dma_semaphore, #tpu.memory_space<semaphore_mem>>) src(%arg8 : memref<512xi32, #tpu.memory_space<vmem>>) dst(%dma_wait3A_18 : memref<512xi32, #tpu.memory_space<hbm>>)
        tpu.yield
      }) : () -> ()
      "tpu.region"() ({
        %run_scoped3A = tpu.sem_alloc : memref<!tpu.dma_semaphore, #tpu.memory_space<semaphore_mem>>
        %dma_start3A = arith.constant 0 : i32
        %dma_start3A_9 = tpu.memref_slice %arg5[%add3A, %dma_start3A] : memref<16x512xf32, #tpu.memory_space<hbm>> -> memref<1x512xf32, #tpu.memory_space<hbm>>
        %dma_start3A_10 = tpu.memref_squeeze %dma_start3A_9 : memref<1x512xf32, #tpu.memory_space<hbm>> -> memref<512xf32, #tpu.memory_space<hbm>>
        %dma_start3A_11 = arith.constant 0 : i32
        %dma_start3A_12 = tpu.memref_slice %arg5[%add3A, %dma_start3A_11] : memref<16x512xf32, #tpu.memory_space<hbm>> -> memref<1x512xf32, #tpu.memory_space<hbm>>
        %dma_start3A_13 = tpu.memref_squeeze %dma_start3A_12 : memref<1x512xf32, #tpu.memory_space<hbm>> -> memref<512xf32, #tpu.memory_space<hbm>>
        tpu.enqueue_dma source(%arg9 : memref<512xf32, #tpu.memory_space<vmem>>) target(%dma_start3A_13 : memref<512xf32, #tpu.memory_space<hbm>>) target_semaphore(%run_scoped3A : memref<!tpu.dma_semaphore, #tpu.memory_space<semaphore_mem>>)
        %dma_wait3A = arith.constant 0 : i32
        %dma_wait3A_14 = tpu.memref_slice %arg5[%add3A, %dma_wait3A] : memref<16x512xf32, #tpu.memory_space<hbm>> -> memref<1x512xf32, #tpu.memory_space<hbm>>
        %dma_wait3A_15 = tpu.memref_squeeze %dma_wait3A_14 : memref<1x512xf32, #tpu.memory_space<hbm>> -> memref<512xf32, #tpu.memory_space<hbm>>
        %dma_wait3A_16 = arith.constant 0 : i32
        %dma_wait3A_17 = tpu.memref_slice %arg5[%add3A, %dma_wait3A_16] : memref<16x512xf32, #tpu.memory_space<hbm>> -> memref<1x512xf32, #tpu.memory_space<hbm>>
        %dma_wait3A_18 = tpu.memref_squeeze %dma_wait3A_17 : memref<1x512xf32, #tpu.memory_space<hbm>> -> memref<512xf32, #tpu.memory_space<hbm>>
        tpu.wait_dma2 semaphore(%run_scoped3A : memref<!tpu.dma_semaphore, #tpu.memory_space<semaphore_mem>>) src(%arg9 : memref<512xf32, #tpu.memory_space<vmem>>) dst(%dma_wait3A_18 : memref<512xf32, #tpu.memory_space<hbm>>)
        tpu.yield
      }) : () -> ()
    } else {
    }
    return
  }
}

#map = affine_map<(d0, d1) -> (0, 0)>
#map1 = affine_map<(d0, d1) -> (0)>
module attributes {stable_mosaic.version = 14 : i64} {
  func.func @_gather_body(%arg0: i32, %arg1: i32, %arg2: memref<8192x1024xf32, #tpu.memory_space<hbm>>, %arg3: memref<8192xi32, #tpu.memory_space<hbm>>, %arg4: memref<8192x1024xf32, #tpu.memory_space<hbm>>, %arg5: memref<256xi32, #tpu.memory_space<vmem>>, %arg6: memref<32x1024xf32, #tpu.memory_space<vmem>>, %arg7: memref<32x1024xf32, #tpu.memory_space<vmem>>, %arg8: memref<!tpu.dma_semaphore, #tpu.memory_space<semaphore_mem>>, %arg9: memref<!tpu.dma_semaphore, #tpu.memory_space<semaphore_mem>>) attributes {dimension_semantics = [#tpu.dimension_semantics<core_parallel>, #tpu.dimension_semantics<subcore_parallel>], iteration_bounds = array<i64: 2, 16>, scalar_prefetch = 0 : i64, scratch_operands = 5 : i64, tpu.core_type = #tpu.core_type<sc_vector_subcore>, window_params = [{transform_indices = #map}, {transform_indices = #map1}, {transform_indices = #map}]} {
    %mul3A = arith.constant 2 : i32
    %mul3A_0 = arith.muli %arg1, %mul3A : i32
    %add3A = arith.addi %mul3A_0, %arg0 : i32
    %mul3A_1 = arith.constant 256 : i32
    %mul3A_2 = arith.muli %add3A, %mul3A_1 : i32
    "tpu.region"() ({
      %run_scoped3A = tpu.sem_alloc : memref<!tpu.dma_semaphore, #tpu.memory_space<semaphore_mem>>
      %dma_start3A_97 = tpu.memref_slice %arg3[%mul3A_2] : memref<8192xi32, #tpu.memory_space<hbm>> -> memref<256xi32, #tpu.memory_space<hbm>>
      %dma_start3A_98 = tpu.memref_slice %arg3[%mul3A_2] : memref<8192xi32, #tpu.memory_space<hbm>> -> memref<256xi32, #tpu.memory_space<hbm>>
      tpu.enqueue_dma source(%dma_start3A_98 : memref<256xi32, #tpu.memory_space<hbm>>) target(%arg5 : memref<256xi32, #tpu.memory_space<vmem>>) target_semaphore(%run_scoped3A : memref<!tpu.dma_semaphore, #tpu.memory_space<semaphore_mem>>)
      %dma_wait3A_99 = tpu.memref_slice %arg3[%mul3A_2] : memref<8192xi32, #tpu.memory_space<hbm>> -> memref<256xi32, #tpu.memory_space<hbm>>
      %dma_wait3A_100 = tpu.memref_slice %arg3[%mul3A_2] : memref<8192xi32, #tpu.memory_space<hbm>> -> memref<256xi32, #tpu.memory_space<hbm>>
      tpu.wait_dma2 semaphore(%run_scoped3A : memref<!tpu.dma_semaphore, #tpu.memory_space<semaphore_mem>>) src(%dma_wait3A_100 : memref<256xi32, #tpu.memory_space<hbm>>) dst(%arg5 : memref<256xi32, #tpu.memory_space<vmem>>)
      tpu.yield
    }) : () -> ()
    %dma_start3A = arith.constant 0 : i32
    %dma_start3A_3 = tpu.memref_slice %arg5[%dma_start3A] : memref<256xi32, #tpu.memory_space<vmem>> -> memref<32xi32, #tpu.memory_space<vmem>>
    %dma_start3A_4 = arith.constant 0 : i32
    %dma_start3A_5 = arith.constant 0 : i32
    %dma_start3A_6 = tpu.memref_slice %arg2[%dma_start3A_4, %dma_start3A_5] : memref<8192x1024xf32, #tpu.memory_space<hbm>> -> memref<8192x1024xf32, #tpu.memory_space<hbm>>
    tpu.enqueue_indirect_dma source(%dma_start3A_6 : memref<8192x1024xf32, #tpu.memory_space<hbm>>) target(%arg6 : memref<32x1024xf32, #tpu.memory_space<vmem>>) offsets(%dma_start3A_3 : memref<32xi32, #tpu.memory_space<vmem>>) semaphore(%arg8 : memref<!tpu.dma_semaphore, #tpu.memory_space<semaphore_mem>>)
    %dma_wait3A = arith.constant 0 : i32
    %dma_wait3A_7 = tpu.memref_slice %arg5[%dma_wait3A] : memref<256xi32, #tpu.memory_space<vmem>> -> memref<32xi32, #tpu.memory_space<vmem>>
    %dma_wait3A_8 = arith.constant 0 : i32
    %dma_wait3A_9 = arith.constant 0 : i32
    %dma_wait3A_10 = tpu.memref_slice %arg2[%dma_wait3A_8, %dma_wait3A_9] : memref<8192x1024xf32, #tpu.memory_space<hbm>> -> memref<8192x1024xf32, #tpu.memory_space<hbm>>
    tpu.wait_indirect_dma semaphore(%arg8 : memref<!tpu.dma_semaphore, #tpu.memory_space<semaphore_mem>>) src(%dma_wait3A_10 : memref<8192x1024xf32, #tpu.memory_space<hbm>>) dst(%arg6 : memref<32x1024xf32, #tpu.memory_space<vmem>>)
    %dma_start3A_11 = arith.constant 32 : i32
    %dma_start3A_12 = tpu.memref_slice %arg5[%dma_start3A_11] : memref<256xi32, #tpu.memory_space<vmem>> -> memref<32xi32, #tpu.memory_space<vmem>>
    %dma_start3A_13 = arith.constant 0 : i32
    %dma_start3A_14 = arith.constant 0 : i32
    %dma_start3A_15 = tpu.memref_slice %arg2[%dma_start3A_13, %dma_start3A_14] : memref<8192x1024xf32, #tpu.memory_space<hbm>> -> memref<8192x1024xf32, #tpu.memory_space<hbm>>
    tpu.enqueue_indirect_dma source(%dma_start3A_15 : memref<8192x1024xf32, #tpu.memory_space<hbm>>) target(%arg7 : memref<32x1024xf32, #tpu.memory_space<vmem>>) offsets(%dma_start3A_12 : memref<32xi32, #tpu.memory_space<vmem>>) semaphore(%arg9 : memref<!tpu.dma_semaphore, #tpu.memory_space<semaphore_mem>>)
    %add3A_16 = arith.constant 0 : i32
    %add3A_17 = arith.addi %mul3A_2, %add3A_16 : i32
    "tpu.region"() ({
      %run_scoped3A = tpu.sem_alloc : memref<!tpu.dma_semaphore, #tpu.memory_space<semaphore_mem>>
      %dma_start3A_97 = arith.constant 0 : i32
      %dma_start3A_98 = tpu.memref_slice %arg4[%add3A_17, %dma_start3A_97] : memref<8192x1024xf32, #tpu.memory_space<hbm>> -> memref<32x1024xf32, #tpu.memory_space<hbm>>
      %dma_start3A_99 = arith.constant 0 : i32
      %dma_start3A_100 = tpu.memref_slice %arg4[%add3A_17, %dma_start3A_99] : memref<8192x1024xf32, #tpu.memory_space<hbm>> -> memref<32x1024xf32, #tpu.memory_space<hbm>>
      tpu.enqueue_dma source(%arg6 : memref<32x1024xf32, #tpu.memory_space<vmem>>) target(%dma_start3A_100 : memref<32x1024xf32, #tpu.memory_space<hbm>>) target_semaphore(%run_scoped3A : memref<!tpu.dma_semaphore, #tpu.memory_space<semaphore_mem>>)
      %dma_wait3A_101 = arith.constant 0 : i32
      %dma_wait3A_102 = tpu.memref_slice %arg4[%add3A_17, %dma_wait3A_101] : memref<8192x1024xf32, #tpu.memory_space<hbm>> -> memref<32x1024xf32, #tpu.memory_space<hbm>>
      %dma_wait3A_103 = arith.constant 0 : i32
      %dma_wait3A_104 = tpu.memref_slice %arg4[%add3A_17, %dma_wait3A_103] : memref<8192x1024xf32, #tpu.memory_space<hbm>> -> memref<32x1024xf32, #tpu.memory_space<hbm>>
      tpu.wait_dma2 semaphore(%run_scoped3A : memref<!tpu.dma_semaphore, #tpu.memory_space<semaphore_mem>>) src(%arg6 : memref<32x1024xf32, #tpu.memory_space<vmem>>) dst(%dma_wait3A_104 : memref<32x1024xf32, #tpu.memory_space<hbm>>)
      tpu.yield
    }) : () -> ()
    %dma_wait3A_18 = arith.constant 32 : i32
    %dma_wait3A_19 = tpu.memref_slice %arg5[%dma_wait3A_18] : memref<256xi32, #tpu.memory_space<vmem>> -> memref<32xi32, #tpu.memory_space<vmem>>
    %dma_wait3A_20 = arith.constant 0 : i32
    %dma_wait3A_21 = arith.constant 0 : i32
    %dma_wait3A_22 = tpu.memref_slice %arg2[%dma_wait3A_20, %dma_wait3A_21] : memref<8192x1024xf32, #tpu.memory_space<hbm>> -> memref<8192x1024xf32, #tpu.memory_space<hbm>>
    tpu.wait_indirect_dma semaphore(%arg9 : memref<!tpu.dma_semaphore, #tpu.memory_space<semaphore_mem>>) src(%dma_wait3A_22 : memref<8192x1024xf32, #tpu.memory_space<hbm>>) dst(%arg7 : memref<32x1024xf32, #tpu.memory_space<vmem>>)
    %dma_start3A_23 = arith.constant 64 : i32
    %dma_start3A_24 = tpu.memref_slice %arg5[%dma_start3A_23] : memref<256xi32, #tpu.memory_space<vmem>> -> memref<32xi32, #tpu.memory_space<vmem>>
    %dma_start3A_25 = arith.constant 0 : i32
    %dma_start3A_26 = arith.constant 0 : i32
    %dma_start3A_27 = tpu.memref_slice %arg2[%dma_start3A_25, %dma_start3A_26] : memref<8192x1024xf32, #tpu.memory_space<hbm>> -> memref<8192x1024xf32, #tpu.memory_space<hbm>>
    tpu.enqueue_indirect_dma source(%dma_start3A_27 : memref<8192x1024xf32, #tpu.memory_space<hbm>>) target(%arg6 : memref<32x1024xf32, #tpu.memory_space<vmem>>) offsets(%dma_start3A_24 : memref<32xi32, #tpu.memory_space<vmem>>) semaphore(%arg8 : memref<!tpu.dma_semaphore, #tpu.memory_space<semaphore_mem>>)
    %add3A_28 = arith.constant 32 : i32
    %add3A_29 = arith.addi %mul3A_2, %add3A_28 : i32
    "tpu.region"() ({
      %run_scoped3A = tpu.sem_alloc : memref<!tpu.dma_semaphore, #tpu.memory_space<semaphore_mem>>
      %dma_start3A_97 = arith.constant 0 : i32
      %dma_start3A_98 = tpu.memref_slice %arg4[%add3A_29, %dma_start3A_97] : memref<8192x1024xf32, #tpu.memory_space<hbm>> -> memref<32x1024xf32, #tpu.memory_space<hbm>>
      %dma_start3A_99 = arith.constant 0 : i32
      %dma_start3A_100 = tpu.memref_slice %arg4[%add3A_29, %dma_start3A_99] : memref<8192x1024xf32, #tpu.memory_space<hbm>> -> memref<32x1024xf32, #tpu.memory_space<hbm>>
      tpu.enqueue_dma source(%arg7 : memref<32x1024xf32, #tpu.memory_space<vmem>>) target(%dma_start3A_100 : memref<32x1024xf32, #tpu.memory_space<hbm>>) target_semaphore(%run_scoped3A : memref<!tpu.dma_semaphore, #tpu.memory_space<semaphore_mem>>)
      %dma_wait3A_101 = arith.constant 0 : i32
      %dma_wait3A_102 = tpu.memref_slice %arg4[%add3A_29, %dma_wait3A_101] : memref<8192x1024xf32, #tpu.memory_space<hbm>> -> memref<32x1024xf32, #tpu.memory_space<hbm>>
      %dma_wait3A_103 = arith.constant 0 : i32
      %dma_wait3A_104 = tpu.memref_slice %arg4[%add3A_29, %dma_wait3A_103] : memref<8192x1024xf32, #tpu.memory_space<hbm>> -> memref<32x1024xf32, #tpu.memory_space<hbm>>
      tpu.wait_dma2 semaphore(%run_scoped3A : memref<!tpu.dma_semaphore, #tpu.memory_space<semaphore_mem>>) src(%arg7 : memref<32x1024xf32, #tpu.memory_space<vmem>>) dst(%dma_wait3A_104 : memref<32x1024xf32, #tpu.memory_space<hbm>>)
      tpu.yield
    }) : () -> ()
    %dma_wait3A_30 = arith.constant 64 : i32
    %dma_wait3A_31 = tpu.memref_slice %arg5[%dma_wait3A_30] : memref<256xi32, #tpu.memory_space<vmem>> -> memref<32xi32, #tpu.memory_space<vmem>>
    %dma_wait3A_32 = arith.constant 0 : i32
    %dma_wait3A_33 = arith.constant 0 : i32
    %dma_wait3A_34 = tpu.memref_slice %arg2[%dma_wait3A_32, %dma_wait3A_33] : memref<8192x1024xf32, #tpu.memory_space<hbm>> -> memref<8192x1024xf32, #tpu.memory_space<hbm>>
    tpu.wait_indirect_dma semaphore(%arg8 : memref<!tpu.dma_semaphore, #tpu.memory_space<semaphore_mem>>) src(%dma_wait3A_34 : memref<8192x1024xf32, #tpu.memory_space<hbm>>) dst(%arg6 : memref<32x1024xf32, #tpu.memory_space<vmem>>)
    %dma_start3A_35 = arith.constant 96 : i32
    %dma_start3A_36 = tpu.memref_slice %arg5[%dma_start3A_35] : memref<256xi32, #tpu.memory_space<vmem>> -> memref<32xi32, #tpu.memory_space<vmem>>
    %dma_start3A_37 = arith.constant 0 : i32
    %dma_start3A_38 = arith.constant 0 : i32
    %dma_start3A_39 = tpu.memref_slice %arg2[%dma_start3A_37, %dma_start3A_38] : memref<8192x1024xf32, #tpu.memory_space<hbm>> -> memref<8192x1024xf32, #tpu.memory_space<hbm>>
    tpu.enqueue_indirect_dma source(%dma_start3A_39 : memref<8192x1024xf32, #tpu.memory_space<hbm>>) target(%arg7 : memref<32x1024xf32, #tpu.memory_space<vmem>>) offsets(%dma_start3A_36 : memref<32xi32, #tpu.memory_space<vmem>>) semaphore(%arg9 : memref<!tpu.dma_semaphore, #tpu.memory_space<semaphore_mem>>)
    %add3A_40 = arith.constant 64 : i32
    %add3A_41 = arith.addi %mul3A_2, %add3A_40 : i32
    "tpu.region"() ({
      %run_scoped3A = tpu.sem_alloc : memref<!tpu.dma_semaphore, #tpu.memory_space<semaphore_mem>>
      %dma_start3A_97 = arith.constant 0 : i32
      %dma_start3A_98 = tpu.memref_slice %arg4[%add3A_41, %dma_start3A_97] : memref<8192x1024xf32, #tpu.memory_space<hbm>> -> memref<32x1024xf32, #tpu.memory_space<hbm>>
      %dma_start3A_99 = arith.constant 0 : i32
      %dma_start3A_100 = tpu.memref_slice %arg4[%add3A_41, %dma_start3A_99] : memref<8192x1024xf32, #tpu.memory_space<hbm>> -> memref<32x1024xf32, #tpu.memory_space<hbm>>
      tpu.enqueue_dma source(%arg6 : memref<32x1024xf32, #tpu.memory_space<vmem>>) target(%dma_start3A_100 : memref<32x1024xf32, #tpu.memory_space<hbm>>) target_semaphore(%run_scoped3A : memref<!tpu.dma_semaphore, #tpu.memory_space<semaphore_mem>>)
      %dma_wait3A_101 = arith.constant 0 : i32
      %dma_wait3A_102 = tpu.memref_slice %arg4[%add3A_41, %dma_wait3A_101] : memref<8192x1024xf32, #tpu.memory_space<hbm>> -> memref<32x1024xf32, #tpu.memory_space<hbm>>
      %dma_wait3A_103 = arith.constant 0 : i32
      %dma_wait3A_104 = tpu.memref_slice %arg4[%add3A_41, %dma_wait3A_103] : memref<8192x1024xf32, #tpu.memory_space<hbm>> -> memref<32x1024xf32, #tpu.memory_space<hbm>>
      tpu.wait_dma2 semaphore(%run_scoped3A : memref<!tpu.dma_semaphore, #tpu.memory_space<semaphore_mem>>) src(%arg6 : memref<32x1024xf32, #tpu.memory_space<vmem>>) dst(%dma_wait3A_104 : memref<32x1024xf32, #tpu.memory_space<hbm>>)
      tpu.yield
    }) : () -> ()
    %dma_wait3A_42 = arith.constant 96 : i32
    %dma_wait3A_43 = tpu.memref_slice %arg5[%dma_wait3A_42] : memref<256xi32, #tpu.memory_space<vmem>> -> memref<32xi32, #tpu.memory_space<vmem>>
    %dma_wait3A_44 = arith.constant 0 : i32
    %dma_wait3A_45 = arith.constant 0 : i32
    %dma_wait3A_46 = tpu.memref_slice %arg2[%dma_wait3A_44, %dma_wait3A_45] : memref<8192x1024xf32, #tpu.memory_space<hbm>> -> memref<8192x1024xf32, #tpu.memory_space<hbm>>
    tpu.wait_indirect_dma semaphore(%arg9 : memref<!tpu.dma_semaphore, #tpu.memory_space<semaphore_mem>>) src(%dma_wait3A_46 : memref<8192x1024xf32, #tpu.memory_space<hbm>>) dst(%arg7 : memref<32x1024xf32, #tpu.memory_space<vmem>>)
    %dma_start3A_47 = arith.constant 128 : i32
    %dma_start3A_48 = tpu.memref_slice %arg5[%dma_start3A_47] : memref<256xi32, #tpu.memory_space<vmem>> -> memref<32xi32, #tpu.memory_space<vmem>>
    %dma_start3A_49 = arith.constant 0 : i32
    %dma_start3A_50 = arith.constant 0 : i32
    %dma_start3A_51 = tpu.memref_slice %arg2[%dma_start3A_49, %dma_start3A_50] : memref<8192x1024xf32, #tpu.memory_space<hbm>> -> memref<8192x1024xf32, #tpu.memory_space<hbm>>
    tpu.enqueue_indirect_dma source(%dma_start3A_51 : memref<8192x1024xf32, #tpu.memory_space<hbm>>) target(%arg6 : memref<32x1024xf32, #tpu.memory_space<vmem>>) offsets(%dma_start3A_48 : memref<32xi32, #tpu.memory_space<vmem>>) semaphore(%arg8 : memref<!tpu.dma_semaphore, #tpu.memory_space<semaphore_mem>>)
    %add3A_52 = arith.constant 96 : i32
    %add3A_53 = arith.addi %mul3A_2, %add3A_52 : i32
    "tpu.region"() ({
      %run_scoped3A = tpu.sem_alloc : memref<!tpu.dma_semaphore, #tpu.memory_space<semaphore_mem>>
      %dma_start3A_97 = arith.constant 0 : i32
      %dma_start3A_98 = tpu.memref_slice %arg4[%add3A_53, %dma_start3A_97] : memref<8192x1024xf32, #tpu.memory_space<hbm>> -> memref<32x1024xf32, #tpu.memory_space<hbm>>
      %dma_start3A_99 = arith.constant 0 : i32
      %dma_start3A_100 = tpu.memref_slice %arg4[%add3A_53, %dma_start3A_99] : memref<8192x1024xf32, #tpu.memory_space<hbm>> -> memref<32x1024xf32, #tpu.memory_space<hbm>>
      tpu.enqueue_dma source(%arg7 : memref<32x1024xf32, #tpu.memory_space<vmem>>) target(%dma_start3A_100 : memref<32x1024xf32, #tpu.memory_space<hbm>>) target_semaphore(%run_scoped3A : memref<!tpu.dma_semaphore, #tpu.memory_space<semaphore_mem>>)
      %dma_wait3A_101 = arith.constant 0 : i32
      %dma_wait3A_102 = tpu.memref_slice %arg4[%add3A_53, %dma_wait3A_101] : memref<8192x1024xf32, #tpu.memory_space<hbm>> -> memref<32x1024xf32, #tpu.memory_space<hbm>>
      %dma_wait3A_103 = arith.constant 0 : i32
      %dma_wait3A_104 = tpu.memref_slice %arg4[%add3A_53, %dma_wait3A_103] : memref<8192x1024xf32, #tpu.memory_space<hbm>> -> memref<32x1024xf32, #tpu.memory_space<hbm>>
      tpu.wait_dma2 semaphore(%run_scoped3A : memref<!tpu.dma_semaphore, #tpu.memory_space<semaphore_mem>>) src(%arg7 : memref<32x1024xf32, #tpu.memory_space<vmem>>) dst(%dma_wait3A_104 : memref<32x1024xf32, #tpu.memory_space<hbm>>)
      tpu.yield
    }) : () -> ()
    %dma_wait3A_54 = arith.constant 128 : i32
    %dma_wait3A_55 = tpu.memref_slice %arg5[%dma_wait3A_54] : memref<256xi32, #tpu.memory_space<vmem>> -> memref<32xi32, #tpu.memory_space<vmem>>
    %dma_wait3A_56 = arith.constant 0 : i32
    %dma_wait3A_57 = arith.constant 0 : i32
    %dma_wait3A_58 = tpu.memref_slice %arg2[%dma_wait3A_56, %dma_wait3A_57] : memref<8192x1024xf32, #tpu.memory_space<hbm>> -> memref<8192x1024xf32, #tpu.memory_space<hbm>>
    tpu.wait_indirect_dma semaphore(%arg8 : memref<!tpu.dma_semaphore, #tpu.memory_space<semaphore_mem>>) src(%dma_wait3A_58 : memref<8192x1024xf32, #tpu.memory_space<hbm>>) dst(%arg6 : memref<32x1024xf32, #tpu.memory_space<vmem>>)
    %dma_start3A_59 = arith.constant 160 : i32
    %dma_start3A_60 = tpu.memref_slice %arg5[%dma_start3A_59] : memref<256xi32, #tpu.memory_space<vmem>> -> memref<32xi32, #tpu.memory_space<vmem>>
    %dma_start3A_61 = arith.constant 0 : i32
    %dma_start3A_62 = arith.constant 0 : i32
    %dma_start3A_63 = tpu.memref_slice %arg2[%dma_start3A_61, %dma_start3A_62] : memref<8192x1024xf32, #tpu.memory_space<hbm>> -> memref<8192x1024xf32, #tpu.memory_space<hbm>>
    tpu.enqueue_indirect_dma source(%dma_start3A_63 : memref<8192x1024xf32, #tpu.memory_space<hbm>>) target(%arg7 : memref<32x1024xf32, #tpu.memory_space<vmem>>) offsets(%dma_start3A_60 : memref<32xi32, #tpu.memory_space<vmem>>) semaphore(%arg9 : memref<!tpu.dma_semaphore, #tpu.memory_space<semaphore_mem>>)
    %add3A_64 = arith.constant 128 : i32
    %add3A_65 = arith.addi %mul3A_2, %add3A_64 : i32
    "tpu.region"() ({
      %run_scoped3A = tpu.sem_alloc : memref<!tpu.dma_semaphore, #tpu.memory_space<semaphore_mem>>
      %dma_start3A_97 = arith.constant 0 : i32
      %dma_start3A_98 = tpu.memref_slice %arg4[%add3A_65, %dma_start3A_97] : memref<8192x1024xf32, #tpu.memory_space<hbm>> -> memref<32x1024xf32, #tpu.memory_space<hbm>>
      %dma_start3A_99 = arith.constant 0 : i32
      %dma_start3A_100 = tpu.memref_slice %arg4[%add3A_65, %dma_start3A_99] : memref<8192x1024xf32, #tpu.memory_space<hbm>> -> memref<32x1024xf32, #tpu.memory_space<hbm>>
      tpu.enqueue_dma source(%arg6 : memref<32x1024xf32, #tpu.memory_space<vmem>>) target(%dma_start3A_100 : memref<32x1024xf32, #tpu.memory_space<hbm>>) target_semaphore(%run_scoped3A : memref<!tpu.dma_semaphore, #tpu.memory_space<semaphore_mem>>)
      %dma_wait3A_101 = arith.constant 0 : i32
      %dma_wait3A_102 = tpu.memref_slice %arg4[%add3A_65, %dma_wait3A_101] : memref<8192x1024xf32, #tpu.memory_space<hbm>> -> memref<32x1024xf32, #tpu.memory_space<hbm>>
      %dma_wait3A_103 = arith.constant 0 : i32
      %dma_wait3A_104 = tpu.memref_slice %arg4[%add3A_65, %dma_wait3A_103] : memref<8192x1024xf32, #tpu.memory_space<hbm>> -> memref<32x1024xf32, #tpu.memory_space<hbm>>
      tpu.wait_dma2 semaphore(%run_scoped3A : memref<!tpu.dma_semaphore, #tpu.memory_space<semaphore_mem>>) src(%arg6 : memref<32x1024xf32, #tpu.memory_space<vmem>>) dst(%dma_wait3A_104 : memref<32x1024xf32, #tpu.memory_space<hbm>>)
      tpu.yield
    }) : () -> ()
    %dma_wait3A_66 = arith.constant 160 : i32
    %dma_wait3A_67 = tpu.memref_slice %arg5[%dma_wait3A_66] : memref<256xi32, #tpu.memory_space<vmem>> -> memref<32xi32, #tpu.memory_space<vmem>>
    %dma_wait3A_68 = arith.constant 0 : i32
    %dma_wait3A_69 = arith.constant 0 : i32
    %dma_wait3A_70 = tpu.memref_slice %arg2[%dma_wait3A_68, %dma_wait3A_69] : memref<8192x1024xf32, #tpu.memory_space<hbm>> -> memref<8192x1024xf32, #tpu.memory_space<hbm>>
    tpu.wait_indirect_dma semaphore(%arg9 : memref<!tpu.dma_semaphore, #tpu.memory_space<semaphore_mem>>) src(%dma_wait3A_70 : memref<8192x1024xf32, #tpu.memory_space<hbm>>) dst(%arg7 : memref<32x1024xf32, #tpu.memory_space<vmem>>)
    %dma_start3A_71 = arith.constant 192 : i32
    %dma_start3A_72 = tpu.memref_slice %arg5[%dma_start3A_71] : memref<256xi32, #tpu.memory_space<vmem>> -> memref<32xi32, #tpu.memory_space<vmem>>
    %dma_start3A_73 = arith.constant 0 : i32
    %dma_start3A_74 = arith.constant 0 : i32
    %dma_start3A_75 = tpu.memref_slice %arg2[%dma_start3A_73, %dma_start3A_74] : memref<8192x1024xf32, #tpu.memory_space<hbm>> -> memref<8192x1024xf32, #tpu.memory_space<hbm>>
    tpu.enqueue_indirect_dma source(%dma_start3A_75 : memref<8192x1024xf32, #tpu.memory_space<hbm>>) target(%arg6 : memref<32x1024xf32, #tpu.memory_space<vmem>>) offsets(%dma_start3A_72 : memref<32xi32, #tpu.memory_space<vmem>>) semaphore(%arg8 : memref<!tpu.dma_semaphore, #tpu.memory_space<semaphore_mem>>)
    %add3A_76 = arith.constant 160 : i32
    %add3A_77 = arith.addi %mul3A_2, %add3A_76 : i32
    "tpu.region"() ({
      %run_scoped3A = tpu.sem_alloc : memref<!tpu.dma_semaphore, #tpu.memory_space<semaphore_mem>>
      %dma_start3A_97 = arith.constant 0 : i32
      %dma_start3A_98 = tpu.memref_slice %arg4[%add3A_77, %dma_start3A_97] : memref<8192x1024xf32, #tpu.memory_space<hbm>> -> memref<32x1024xf32, #tpu.memory_space<hbm>>
      %dma_start3A_99 = arith.constant 0 : i32
      %dma_start3A_100 = tpu.memref_slice %arg4[%add3A_77, %dma_start3A_99] : memref<8192x1024xf32, #tpu.memory_space<hbm>> -> memref<32x1024xf32, #tpu.memory_space<hbm>>
      tpu.enqueue_dma source(%arg7 : memref<32x1024xf32, #tpu.memory_space<vmem>>) target(%dma_start3A_100 : memref<32x1024xf32, #tpu.memory_space<hbm>>) target_semaphore(%run_scoped3A : memref<!tpu.dma_semaphore, #tpu.memory_space<semaphore_mem>>)
      %dma_wait3A_101 = arith.constant 0 : i32
      %dma_wait3A_102 = tpu.memref_slice %arg4[%add3A_77, %dma_wait3A_101] : memref<8192x1024xf32, #tpu.memory_space<hbm>> -> memref<32x1024xf32, #tpu.memory_space<hbm>>
      %dma_wait3A_103 = arith.constant 0 : i32
      %dma_wait3A_104 = tpu.memref_slice %arg4[%add3A_77, %dma_wait3A_103] : memref<8192x1024xf32, #tpu.memory_space<hbm>> -> memref<32x1024xf32, #tpu.memory_space<hbm>>
      tpu.wait_dma2 semaphore(%run_scoped3A : memref<!tpu.dma_semaphore, #tpu.memory_space<semaphore_mem>>) src(%arg7 : memref<32x1024xf32, #tpu.memory_space<vmem>>) dst(%dma_wait3A_104 : memref<32x1024xf32, #tpu.memory_space<hbm>>)
      tpu.yield
    }) : () -> ()
    %dma_wait3A_78 = arith.constant 192 : i32
    %dma_wait3A_79 = tpu.memref_slice %arg5[%dma_wait3A_78] : memref<256xi32, #tpu.memory_space<vmem>> -> memref<32xi32, #tpu.memory_space<vmem>>
    %dma_wait3A_80 = arith.constant 0 : i32
    %dma_wait3A_81 = arith.constant 0 : i32
    %dma_wait3A_82 = tpu.memref_slice %arg2[%dma_wait3A_80, %dma_wait3A_81] : memref<8192x1024xf32, #tpu.memory_space<hbm>> -> memref<8192x1024xf32, #tpu.memory_space<hbm>>
    tpu.wait_indirect_dma semaphore(%arg8 : memref<!tpu.dma_semaphore, #tpu.memory_space<semaphore_mem>>) src(%dma_wait3A_82 : memref<8192x1024xf32, #tpu.memory_space<hbm>>) dst(%arg6 : memref<32x1024xf32, #tpu.memory_space<vmem>>)
    %dma_start3A_83 = arith.constant 224 : i32
    %dma_start3A_84 = tpu.memref_slice %arg5[%dma_start3A_83] : memref<256xi32, #tpu.memory_space<vmem>> -> memref<32xi32, #tpu.memory_space<vmem>>
    %dma_start3A_85 = arith.constant 0 : i32
    %dma_start3A_86 = arith.constant 0 : i32
    %dma_start3A_87 = tpu.memref_slice %arg2[%dma_start3A_85, %dma_start3A_86] : memref<8192x1024xf32, #tpu.memory_space<hbm>> -> memref<8192x1024xf32, #tpu.memory_space<hbm>>
    tpu.enqueue_indirect_dma source(%dma_start3A_87 : memref<8192x1024xf32, #tpu.memory_space<hbm>>) target(%arg7 : memref<32x1024xf32, #tpu.memory_space<vmem>>) offsets(%dma_start3A_84 : memref<32xi32, #tpu.memory_space<vmem>>) semaphore(%arg9 : memref<!tpu.dma_semaphore, #tpu.memory_space<semaphore_mem>>)
    %add3A_88 = arith.constant 192 : i32
    %add3A_89 = arith.addi %mul3A_2, %add3A_88 : i32
    "tpu.region"() ({
      %run_scoped3A = tpu.sem_alloc : memref<!tpu.dma_semaphore, #tpu.memory_space<semaphore_mem>>
      %dma_start3A_97 = arith.constant 0 : i32
      %dma_start3A_98 = tpu.memref_slice %arg4[%add3A_89, %dma_start3A_97] : memref<8192x1024xf32, #tpu.memory_space<hbm>> -> memref<32x1024xf32, #tpu.memory_space<hbm>>
      %dma_start3A_99 = arith.constant 0 : i32
      %dma_start3A_100 = tpu.memref_slice %arg4[%add3A_89, %dma_start3A_99] : memref<8192x1024xf32, #tpu.memory_space<hbm>> -> memref<32x1024xf32, #tpu.memory_space<hbm>>
      tpu.enqueue_dma source(%arg6 : memref<32x1024xf32, #tpu.memory_space<vmem>>) target(%dma_start3A_100 : memref<32x1024xf32, #tpu.memory_space<hbm>>) target_semaphore(%run_scoped3A : memref<!tpu.dma_semaphore, #tpu.memory_space<semaphore_mem>>)
      %dma_wait3A_101 = arith.constant 0 : i32
      %dma_wait3A_102 = tpu.memref_slice %arg4[%add3A_89, %dma_wait3A_101] : memref<8192x1024xf32, #tpu.memory_space<hbm>> -> memref<32x1024xf32, #tpu.memory_space<hbm>>
      %dma_wait3A_103 = arith.constant 0 : i32
      %dma_wait3A_104 = tpu.memref_slice %arg4[%add3A_89, %dma_wait3A_103] : memref<8192x1024xf32, #tpu.memory_space<hbm>> -> memref<32x1024xf32, #tpu.memory_space<hbm>>
      tpu.wait_dma2 semaphore(%run_scoped3A : memref<!tpu.dma_semaphore, #tpu.memory_space<semaphore_mem>>) src(%arg6 : memref<32x1024xf32, #tpu.memory_space<vmem>>) dst(%dma_wait3A_104 : memref<32x1024xf32, #tpu.memory_space<hbm>>)
      tpu.yield
    }) : () -> ()
    %dma_wait3A_90 = arith.constant 224 : i32
    %dma_wait3A_91 = tpu.memref_slice %arg5[%dma_wait3A_90] : memref<256xi32, #tpu.memory_space<vmem>> -> memref<32xi32, #tpu.memory_space<vmem>>
    %dma_wait3A_92 = arith.constant 0 : i32
    %dma_wait3A_93 = arith.constant 0 : i32
    %dma_wait3A_94 = tpu.memref_slice %arg2[%dma_wait3A_92, %dma_wait3A_93] : memref<8192x1024xf32, #tpu.memory_space<hbm>> -> memref<8192x1024xf32, #tpu.memory_space<hbm>>
    tpu.wait_indirect_dma semaphore(%arg9 : memref<!tpu.dma_semaphore, #tpu.memory_space<semaphore_mem>>) src(%dma_wait3A_94 : memref<8192x1024xf32, #tpu.memory_space<hbm>>) dst(%arg7 : memref<32x1024xf32, #tpu.memory_space<vmem>>)
    %add3A_95 = arith.constant 224 : i32
    %add3A_96 = arith.addi %mul3A_2, %add3A_95 : i32
    "tpu.region"() ({
      %run_scoped3A = tpu.sem_alloc : memref<!tpu.dma_semaphore, #tpu.memory_space<semaphore_mem>>
      %dma_start3A_97 = arith.constant 0 : i32
      %dma_start3A_98 = tpu.memref_slice %arg4[%add3A_96, %dma_start3A_97] : memref<8192x1024xf32, #tpu.memory_space<hbm>> -> memref<32x1024xf32, #tpu.memory_space<hbm>>
      %dma_start3A_99 = arith.constant 0 : i32
      %dma_start3A_100 = tpu.memref_slice %arg4[%add3A_96, %dma_start3A_99] : memref<8192x1024xf32, #tpu.memory_space<hbm>> -> memref<32x1024xf32, #tpu.memory_space<hbm>>
      tpu.enqueue_dma source(%arg7 : memref<32x1024xf32, #tpu.memory_space<vmem>>) target(%dma_start3A_100 : memref<32x1024xf32, #tpu.memory_space<hbm>>) target_semaphore(%run_scoped3A : memref<!tpu.dma_semaphore, #tpu.memory_space<semaphore_mem>>)
      %dma_wait3A_101 = arith.constant 0 : i32
      %dma_wait3A_102 = tpu.memref_slice %arg4[%add3A_96, %dma_wait3A_101] : memref<8192x1024xf32, #tpu.memory_space<hbm>> -> memref<32x1024xf32, #tpu.memory_space<hbm>>
      %dma_wait3A_103 = arith.constant 0 : i32
      %dma_wait3A_104 = tpu.memref_slice %arg4[%add3A_96, %dma_wait3A_103] : memref<8192x1024xf32, #tpu.memory_space<hbm>> -> memref<32x1024xf32, #tpu.memory_space<hbm>>
      tpu.wait_dma2 semaphore(%run_scoped3A : memref<!tpu.dma_semaphore, #tpu.memory_space<semaphore_mem>>) src(%arg7 : memref<32x1024xf32, #tpu.memory_space<vmem>>) dst(%dma_wait3A_104 : memref<32x1024xf32, #tpu.memory_space<hbm>>)
      tpu.yield
    }) : () -> ()
    return
  }
}

module attributes {stable_mosaic.version = 14 : i64} {
  func.func @_logits_body(%arg0: i32, %arg1: memref<1024x1024xf32, #tpu.memory_space<vmem>>, %arg2: memref<1024x16xf32, #tpu.memory_space<vmem>>, %arg3: memref<1024x16xf32, #tpu.memory_space<vmem>>) attributes {dimension_semantics = [#tpu.dimension_semantics<arbitrary>], iteration_bounds = array<i64: 8>, scalar_prefetch = 0 : i64, scratch_operands = 0 : i64, tpu.core_type = #tpu.core_type<tc>, window_params = [{transform_indices = @transform_0, window_bounds = array<i64: 1024, 1024>}, {pipeline_mode = #tpu.pipeline_mode<synchronous>, transform_indices = @transform_1, window_bounds = array<i64: 1024, 16>}, {transform_indices = @transform_2, window_bounds = array<i64: 1024, 16>}]} {
    %get3A = arith.constant 0 : index
    %get3A_0 = arith.constant 0 : index
    %get3A_1 = vector.load %arg1[%get3A, %get3A_0] : memref<1024x1024xf32, #tpu.memory_space<vmem>>, vector<1024x1024xf32>
    %get3A_2 = arith.constant 0 : index
    %get3A_3 = arith.constant 0 : index
    %get3A_4 = vector.load %arg2[%get3A_2, %get3A_3] : memref<1024x16xf32, #tpu.memory_space<vmem>>, vector<1024x16xf32>
    %dot_general3A = arith.constant dense<0.000000e+00> : vector<1024x16xf32>
    %dot_general3A_5 = tpu.matmul %get3A_1, %get3A_4, %dot_general3A {dimension_numbers = #tpu.dot_dimension_numbers<[1], [0], [0], [1], [0, 0, 1, 1], [], []>, transpose_lhs_hint = false} : vector<1024x1024xf32>, vector<1024x16xf32>, vector<1024x16xf32> -> vector<1024x16xf32>
    %swap3A = arith.constant 0 : index
    %swap3A_6 = arith.constant 0 : index
    %swap3A_7 = vector.load %arg3[%swap3A, %swap3A_6] : memref<1024x16xf32, #tpu.memory_space<vmem>>, vector<1024x16xf32>
    tpu.vector_store %arg3[%swap3A, %swap3A_6], %dot_general3A_5 {strides = array<i32>} : memref<1024x16xf32, #tpu.memory_space<vmem>>, vector<1024x16xf32>,
    return
  }
  func.func @transform_0(%arg0: i32) -> (i32, i32) {
    %c0_i32 = arith.constant 0 : i32
    %c0_i32_0 = arith.constant 0 : i32
    return %arg0, %c0_i32 : i32, i32
  }
  func.func @transform_1(%arg0: i32) -> (i32, i32) {
    %c0_i32 = arith.constant 0 : i32
    %c0_i32_0 = arith.constant 0 : i32
    %c0_i32_1 = arith.constant 0 : i32
    return %c0_i32, %c0_i32_0 : i32, i32
  }
  func.func @transform_2(%arg0: i32) -> (i32, i32) {
    %c0_i32 = arith.constant 0 : i32
    %c0_i32_0 = arith.constant 0 : i32
    return %arg0, %c0_i32 : i32, i32
  }
}

module attributes {stable_mosaic.version = 14 : i64} {
  func.func @_router_body(%arg0: memref<8192x16xf32, #tpu.memory_space<vmem>>, %arg1: memref<128x128xf32, #tpu.memory_space<vmem>>, %arg2: memref<64x64xf32, #tpu.memory_space<vmem>>, %arg3: memref<16x8192xf32, #tpu.memory_space<vmem>>, %arg4: memref<16x8192xi32, #tpu.memory_space<vmem>>) attributes {dimension_semantics = [], scalar_prefetch = 0 : i64, scratch_operands = 0 : i64, tpu.core_type = #tpu.core_type<tc>} {
    %get3A = arith.constant 0 : index
    %get3A_0 = arith.constant 0 : index
    %get3A_1 = vector.load %arg0[%get3A, %get3A_0] : memref<8192x16xf32, #tpu.memory_space<vmem>>, vector<8192x16xf32>
    %reduce_max3A = arith.constant dense<0xFF800000> : vector<16xf32>
    %reduce_max3A_2 = vector.multi_reduction <maximumf>, %get3A_1, %reduce_max3A [0] : vector<8192x16xf32> to vector<16xf32>
    %broadcast_in_dim3A = vector.shape_cast %reduce_max3A_2 : vector<16xf32> to vector<1x16xf32>
    %sub3A = vector.broadcast %broadcast_in_dim3A : vector<1x16xf32> to vector<8192x16xf32>
    %sub3A_3 = arith.subf %get3A_1, %sub3A : vector<8192x16xf32>
    %exp3A = math.exp %sub3A_3 : vector<8192x16xf32>
    %reduce_sum3A = arith.constant dense<0.000000e+00> : vector<16xf32>
    %reduce_sum3A_4 = vector.multi_reduction <add>, %exp3A, %reduce_sum3A [0] : vector<8192x16xf32> to vector<16xf32>
    %broadcast_in_dim3A_5 = vector.shape_cast %reduce_sum3A_4 : vector<16xf32> to vector<1x16xf32>
    %div3A = vector.broadcast %broadcast_in_dim3A_5 : vector<1x16xf32> to vector<8192x16xf32>
    %div3A_6 = arith.divf %exp3A, %div3A : vector<8192x16xf32>
    %transpose3A = tpu.transpose %div3A_6, [1, 0] : vector<8192x16xf32> -> vector<16x8192xf32>
    %swap3A = arith.constant 0 : index
    %swap3A_7 = arith.constant 0 : index
    %swap3A_8 = vector.load %arg3[%swap3A, %swap3A_7] : memref<16x8192xf32, #tpu.memory_space<vmem>>, vector<16x8192xf32>
    tpu.vector_store %arg3[%swap3A, %swap3A_7], %transpose3A {strides = array<i32>} : memref<16x8192xf32, #tpu.memory_space<vmem>>, vector<16x8192xf32>,
    %bitcast_convert_type3A = tpu.bitcast %transpose3A : vector<16x8192xf32> -> vector<16x8192xi32>
    %broadcast_in_dim3A_9 = arith.constant 0 : i32
    %broadcast_in_dim3A_10 = vector.broadcast %broadcast_in_dim3A_9 : i32 to vector<16x1xi32>
    %scan3A = arith.constant 0 : i32
    %scan3A_11 = arith.constant 31 : i32
    %scan3A_12 = arith.addi %scan3A, %scan3A_11 : i32
    %scan3A_13 = arith.constant 1 : i32
    %scan3A_14 = scf.for %scan3A_68 = %scan3A to %scan3A_12 step %scan3A_13 iter_args(%scan3A_69 = %broadcast_in_dim3A_10) -> (vector<16x1xi32>)  : i32 {
      %sub3A_70 = arith.constant 30 : i32
      %sub3A_71 = arith.subi %sub3A_70, %scan3A_68 : i32
      %shift_left3A = arith.constant 1 : i32
      %shift_left3A_72 = arith.shli %shift_left3A, %sub3A_71 : i32
      %or3A = vector.broadcast %shift_left3A_72 : i32 to vector<16x1xi32>
      %or3A_73 = arith.ori %scan3A_69, %or3A : vector<16x1xi32>
      %ge3A = vector.broadcast %or3A_73 : vector<16x1xi32> to vector<16x8192xi32>
      %ge3A_74 = arith.cmpi sge, %bitcast_convert_type3A, %ge3A : vector<16x8192xi32>
      %convert_element_type3A_75 = arith.extui %ge3A_74 : vector<16x8192xi1> to vector<16x8192xi32>
      %convert_element_type3A_76 = arith.sitofp %convert_element_type3A_75 : vector<16x8192xi32> to vector<16x8192xf32>
      %reduce_sum3A_77 = arith.constant dense<0.000000e+00> : vector<16xf32>
      %reduce_sum3A_78 = vector.multi_reduction <add>, %convert_element_type3A_76, %reduce_sum3A_77 [1] : vector<16x8192xf32> to vector<16xf32>
      %broadcast_in_dim3A_79 = vector.shape_cast %reduce_sum3A_78 : vector<16xf32> to vector<16x1xf32>
      %ge3A_80 = arith.constant 5.120000e+02 : f32
      %ge3A_81 = vector.broadcast %ge3A_80 : f32 to vector<16x1xf32>
      %ge3A_82 = arith.cmpf oge, %broadcast_in_dim3A_79, %ge3A_81 : vector<16x1xf32>
      %select_n3A_83 = arith.select %ge3A_82, %or3A_73, %scan3A_69 : vector<16x1xi1>, vector<16x1xi32>
      scf.yield %select_n3A_83 : vector<16x1xi32>
    }
    %scan3A_15 = arith.constant 31 : i32
    %bitcast_convert_type3A_16 = tpu.bitcast %scan3A_14 : vector<16x1xi32> -> vector<16x1xf32>
    %get3A_17 = arith.constant 0 : index
    %get3A_18 = arith.constant 0 : index
    %get3A_19 = vector.load %arg1[%get3A_17, %get3A_18] : memref<128x128xf32, #tpu.memory_space<vmem>>, vector<128x128xf32>
    %get3A_20 = arith.constant 0 : index
    %get3A_21 = arith.constant 0 : index
    %get3A_22 = vector.load %arg2[%get3A_20, %get3A_21] : memref<64x64xf32, #tpu.memory_space<vmem>>, vector<64x64xf32>
    %gt3A = vector.broadcast %bitcast_convert_type3A_16 : vector<16x1xf32> to vector<16x8192xf32>
    %gt3A_23 = arith.cmpf ogt, %transpose3A, %gt3A : vector<16x8192xf32>
    %convert_element_type3A = arith.extui %gt3A_23 : vector<16x8192xi1> to vector<16x8192xi32>
    %convert_element_type3A_24 = arith.sitofp %convert_element_type3A : vector<16x8192xi32> to vector<16x8192xf32>
    %eq3A = vector.broadcast %bitcast_convert_type3A_16 : vector<16x1xf32> to vector<16x8192xf32>
    %eq3A_25 = arith.cmpf oeq, %transpose3A, %eq3A : vector<16x8192xf32>
    %convert_element_type3A_26 = arith.extui %eq3A_25 : vector<16x8192xi1> to vector<16x8192xi32>
    %convert_element_type3A_27 = arith.sitofp %convert_element_type3A_26 : vector<16x8192xi32> to vector<16x8192xf32>
    %reduce_sum3A_28 = arith.constant dense<0.000000e+00> : vector<16xf32>
    %reduce_sum3A_29 = vector.multi_reduction <add>, %convert_element_type3A_24, %reduce_sum3A_28 [1] : vector<16x8192xf32> to vector<16xf32>
    %broadcast_in_dim3A_30 = vector.shape_cast %reduce_sum3A_29 : vector<16xf32> to vector<16x1xf32>
    %sub3A_31 = arith.constant 5.120000e+02 : f32
    %sub3A_32 = vector.broadcast %sub3A_31 : f32 to vector<16x1xf32>
    %sub3A_33 = arith.subf %sub3A_32, %broadcast_in_dim3A_30 : vector<16x1xf32>
    %reshape3A = vector.shape_cast %convert_element_type3A_27 : vector<16x8192xf32> to vector<16x64x128xf32>
    %dot_general3A = arith.constant dense<0.000000e+00> : vector<16x64x128xf32>
    %dot_general3A_34 = tpu.matmul %reshape3A, %get3A_19, %dot_general3A {dimension_numbers = #tpu.dot_dimension_numbers<[2], [0], [0, 1], [1], [0, 0, 0, 1, 1, 1], [], []>, transpose_lhs_hint = false} : vector<16x64x128xf32>, vector<128x128xf32>, vector<16x64x128xf32> -> vector<16x64x128xf32>
    %reduce_sum3A_35 = arith.constant dense<0.000000e+00> : vector<16x64xf32>
    %reduce_sum3A_36 = vector.multi_reduction <add>, %reshape3A, %reduce_sum3A_35 [2] : vector<16x64x128xf32> to vector<16x64xf32>
    %dot_general3A_37 = arith.constant dense<0.000000e+00> : vector<16x64xf32>
    %dot_general3A_38 = tpu.matmul %reduce_sum3A_36, %get3A_22, %dot_general3A_37 {dimension_numbers = #tpu.dot_dimension_numbers<[1], [0], [0], [1], [0, 0, 1, 1], [], []>, transpose_lhs_hint = false} : vector<16x64xf32>, vector<64x64xf32>, vector<16x64xf32> -> vector<16x64xf32>
    %broadcast_in_dim3A_39 = vector.shape_cast %dot_general3A_38 : vector<16x64xf32> to vector<16x64x1xf32>
    %add3A = vector.broadcast %broadcast_in_dim3A_39 : vector<16x64x1xf32> to vector<16x64x128xf32>
    %add3A_40 = arith.addf %dot_general3A_34, %add3A : vector<16x64x128xf32>
    %reshape3A_41 = vector.shape_cast %add3A_40 : vector<16x64x128xf32> to vector<16x8192xf32>
    %le3A = vector.broadcast %sub3A_33 : vector<16x1xf32> to vector<16x8192xf32>
    %le3A_42 = arith.cmpf ole, %reshape3A_41, %le3A : vector<16x8192xf32>
    %convert_element_type3A_43 = arith.extui %le3A_42 : vector<16x8192xi1> to vector<16x8192xi32>
    %convert_element_type3A_44 = arith.sitofp %convert_element_type3A_43 : vector<16x8192xi32> to vector<16x8192xf32>
    %mul3A = arith.mulf %convert_element_type3A_27, %convert_element_type3A_44 : vector<16x8192xf32>
    %add3A_45 = arith.addf %convert_element_type3A_24, %mul3A : vector<16x8192xf32>
    %reshape3A_46 = vector.shape_cast %add3A_45 : vector<16x8192xf32> to vector<16x64x128xf32>
    %dot_general3A_47 = arith.constant dense<0.000000e+00> : vector<16x64x128xf32>
    %dot_general3A_48 = tpu.matmul %reshape3A_46, %get3A_19, %dot_general3A_47 {dimension_numbers = #tpu.dot_dimension_numbers<[2], [0], [0, 1], [1], [0, 0, 0, 1, 1, 1], [], []>, transpose_lhs_hint = false} : vector<16x64x128xf32>, vector<128x128xf32>, vector<16x64x128xf32> -> vector<16x64x128xf32>
    %reduce_sum3A_49 = arith.constant dense<0.000000e+00> : vector<16x64xf32>
    %reduce_sum3A_50 = vector.multi_reduction <add>, %reshape3A_46, %reduce_sum3A_49 [2] : vector<16x64x128xf32> to vector<16x64xf32>
    %dot_general3A_51 = arith.constant dense<0.000000e+00> : vector<16x64xf32>
    %dot_general3A_52 = tpu.matmul %reduce_sum3A_50, %get3A_22, %dot_general3A_51 {dimension_numbers = #tpu.dot_dimension_numbers<[1], [0], [0], [1], [0, 0, 1, 1], [], []>, transpose_lhs_hint = false} : vector<16x64xf32>, vector<64x64xf32>, vector<16x64xf32> -> vector<16x64xf32>
    %broadcast_in_dim3A_53 = vector.shape_cast %dot_general3A_52 : vector<16x64xf32> to vector<16x64x1xf32>
    %add3A_54 = vector.broadcast %broadcast_in_dim3A_53 : vector<16x64x1xf32> to vector<16x64x128xf32>
    %add3A_55 = arith.addf %dot_general3A_48, %add3A_54 : vector<16x64x128xf32>
    %reshape3A_56 = vector.shape_cast %add3A_55 : vector<16x64x128xf32> to vector<16x8192xf32>
    %sub3A_57 = arith.constant 1.000000e+00 : f32
    %sub3A_58 = vector.broadcast %sub3A_57 : f32 to vector<16x8192xf32>
    %sub3A_59 = arith.subf %reshape3A_56, %sub3A_58 : vector<16x8192xf32>
    %gt3A_60 = arith.constant 0.000000e+00 : f32
    %gt3A_61 = vector.broadcast %gt3A_60 : f32 to vector<16x8192xf32>
    %gt3A_62 = arith.cmpf ogt, %add3A_45, %gt3A_61 : vector<16x8192xf32>
    %jit3A = arith.constant -1.000000e+00 : f32
    %broadcast_in_dim3A_63 = vector.broadcast %jit3A : f32 to vector<16x8192xf32>
    %select_n3A = arith.select %gt3A_62, %sub3A_59, %broadcast_in_dim3A_63 : vector<16x8192xi1>, vector<16x8192xf32>
    %convert_element_type3A_64 = arith.fptosi %select_n3A : vector<16x8192xf32> to vector<16x8192xi32>
    %swap3A_65 = arith.constant 0 : index
    %swap3A_66 = arith.constant 0 : index
    %swap3A_67 = vector.load %arg4[%swap3A_65, %swap3A_66] : memref<16x8192xi32, #tpu.memory_space<vmem>>, vector<16x8192xi32>
    tpu.vector_store %arg4[%swap3A_65, %swap3A_66], %convert_element_type3A_64 {strides = array<i32>} : memref<16x8192xi32, #tpu.memory_space<vmem>>, vector<16x8192xi32>,
    return
  }
}

module attributes {stable_mosaic.version = 14 : i64} {
  func.func @_ffn_body(%arg0: i32, %arg1: i32, %arg2: memref<8192xi32, #tpu.memory_space<smem>>, %arg3: memref<1x512x1024xf32, #tpu.memory_space<vmem>>, %arg4: memref<1x1024x1024xf32, #tpu.memory_space<vmem>>, %arg5: memref<1x1x1024xf32, #tpu.memory_space<vmem>>, %arg6: memref<1x1024x1024xf32, #tpu.memory_space<vmem>>, %arg7: memref<1x1x1024xf32, #tpu.memory_space<vmem>>, %arg8: memref<1x1x512xf32, #tpu.memory_space<vmem>>, %arg9: memref<8192x8x128xf32, #tpu.memory_space<vmem>>, %arg10: memref<512x8x128xf32, #tpu.memory_space<vmem>>) attributes {dimension_semantics = [#tpu.dimension_semantics<arbitrary>, #tpu.dimension_semantics<arbitrary>], iteration_bounds = array<i64: 16, 4>, scalar_prefetch = 0 : i64, scratch_operands = 1 : i64, tpu.core_type = #tpu.core_type<tc>, window_params = [{transform_indices = @transform_0, window_bounds = array<i64: 8192>}, {transform_indices = @transform_1, window_bounds = array<i64: 1, 512, 1024>}, {transform_indices = @transform_2, window_bounds = array<i64: 1, 1024, 1024>}, {transform_indices = @transform_3, window_bounds = array<i64: 1, 1, 1024>}, {transform_indices = @transform_4, window_bounds = array<i64: 1, 1024, 1024>}, {transform_indices = @transform_5, window_bounds = array<i64: 1, 1, 1024>}, {transform_indices = @transform_6, window_bounds = array<i64: 1, 1, 512>}, {pipeline_mode = #tpu.pipeline_mode<synchronous>, transform_indices = @transform_7, window_bounds = array<i64: 8192, 8, 128>}]} {
    %get3A = arith.constant 0 : index
    %get3A_0 = arith.constant 0 : index
    %get3A_1 = arith.constant 0 : index
    %get3A_2 = vector.load %arg3[%get3A, %get3A_0, %get3A_1] : memref<1x512x1024xf32, #tpu.memory_space<vmem>>, vector<1x512x1024xf32>
    %get3A_3 = vector.shape_cast %get3A_2 : vector<1x512x1024xf32> to vector<512x1024xf32>
    %convert_element_type3A = arith.truncf %get3A_3 : vector<512x1024xf32> to vector<512x1024xbf16>
    %get3A_4 = arith.constant 0 : index
    %get3A_5 = arith.constant 0 : index
    %get3A_6 = arith.constant 0 : index
    %get3A_7 = vector.load %arg4[%get3A_4, %get3A_5, %get3A_6] : memref<1x1024x1024xf32, #tpu.memory_space<vmem>>, vector<1x1024x1024xf32>
    %get3A_8 = vector.shape_cast %get3A_7 : vector<1x1024x1024xf32> to vector<1024x1024xf32>
    %convert_element_type3A_9 = arith.truncf %get3A_8 : vector<1024x1024xf32> to vector<1024x1024xbf16>
    %dot_general3A = arith.constant dense<0.000000e+00> : vector<512x1024xf32>
    %dot_general3A_10 = tpu.matmul %convert_element_type3A, %convert_element_type3A_9, %dot_general3A {dimension_numbers = #tpu.dot_dimension_numbers<[1], [0], [0], [1], [0, 0, 1, 1], [], []>, transpose_lhs_hint = false} : vector<512x1024xbf16>, vector<1024x1024xbf16>, vector<512x1024xf32> -> vector<512x1024xf32>
    %get3A_11 = arith.constant 0 : index
    %get3A_12 = arith.constant 0 : index
    %get3A_13 = arith.constant 0 : index
    %get3A_14 = vector.load %arg5[%get3A_11, %get3A_12, %get3A_13] : memref<1x1x1024xf32, #tpu.memory_space<vmem>>, vector<1x1x1024xf32>
    %get3A_15 = vector.shape_cast %get3A_14 : vector<1x1x1024xf32> to vector<1024xf32>
    %broadcast_in_dim3A = vector.shape_cast %get3A_15 : vector<1024xf32> to vector<1x1024xf32>
    %add3A = vector.broadcast %broadcast_in_dim3A : vector<1x1024xf32> to vector<512x1024xf32>
    %add3A_16 = arith.addf %dot_general3A_10, %add3A : vector<512x1024xf32>
    %mul3A = arith.constant 5.000000e-01 : f32
    %mul3A_17 = vector.broadcast %mul3A : f32 to vector<512x1024xf32>
    %mul3A_18 = arith.mulf %mul3A_17, %add3A_16 : vector<512x1024xf32>
    %mul3A_19 = arith.constant 0.707106769 : f32
    %mul3A_20 = vector.broadcast %mul3A_19 : f32 to vector<512x1024xf32>
    %mul3A_21 = arith.mulf %add3A_16, %mul3A_20 : vector<512x1024xf32>
    %erf3A = math.erf %mul3A_21 : vector<512x1024xf32>
    %add3A_22 = arith.constant 1.000000e+00 : f32
    %add3A_23 = vector.broadcast %add3A_22 : f32 to vector<512x1024xf32>
    %add3A_24 = arith.addf %add3A_23, %erf3A : vector<512x1024xf32>
    %mul3A_25 = arith.mulf %mul3A_18, %add3A_24 : vector<512x1024xf32>
    %convert_element_type3A_26 = arith.truncf %mul3A_25 : vector<512x1024xf32> to vector<512x1024xbf16>
    %get3A_27 = arith.constant 0 : index
    %get3A_28 = arith.constant 0 : index
    %get3A_29 = arith.constant 0 : index
    %get3A_30 = vector.load %arg6[%get3A_27, %get3A_28, %get3A_29] : memref<1x1024x1024xf32, #tpu.memory_space<vmem>>, vector<1x1024x1024xf32>
    %get3A_31 = vector.shape_cast %get3A_30 : vector<1x1024x1024xf32> to vector<1024x1024xf32>
    %convert_element_type3A_32 = arith.truncf %get3A_31 : vector<1024x1024xf32> to vector<1024x1024xbf16>
    %dot_general3A_33 = arith.constant dense<0.000000e+00> : vector<512x1024xf32>
    %dot_general3A_34 = tpu.matmul %convert_element_type3A_26, %convert_element_type3A_32, %dot_general3A_33 {dimension_numbers = #tpu.dot_dimension_numbers<[1], [0], [0], [1], [0, 0, 1, 1], [], []>, transpose_lhs_hint = false} : vector<512x1024xbf16>, vector<1024x1024xbf16>, vector<512x1024xf32> -> vector<512x1024xf32>
    %reshape3A = vector.shape_cast %dot_general3A_34 : vector<512x1024xf32> to vector<512x8x128xf32>
    %eq3A = arith.constant 0 : i32
    %eq3A_35 = arith.cmpi eq, %arg1, %eq3A : i32
    %convert_element_type3A_36 = arith.extui %eq3A_35 : i1 to i32
    %cond3A = arith.constant 0 : i32
    %cond3A_37 = arith.cmpi ne, %convert_element_type3A_36, %cond3A : i32
    scf.if %cond3A_37 {
      %get3A_47 = arith.constant 0 : index
      %get3A_48 = arith.constant 0 : index
      %get3A_49 = arith.constant 0 : index
      %get3A_50 = vector.load %arg7[%get3A_47, %get3A_48, %get3A_49] : memref<1x1x1024xf32, #tpu.memory_space<vmem>>, vector<1x1x1024xf32>
      %get3A_51 = vector.shape_cast %get3A_50 : vector<1x1x1024xf32> to vector<1024xf32>
      %reshape3A_52 = vector.shape_cast %get3A_51 : vector<1024xf32> to vector<1x8x128xf32>
      %add3A_53 = vector.broadcast %reshape3A_52 : vector<1x8x128xf32> to vector<512x8x128xf32>
      %add3A_54 = arith.addf %reshape3A, %add3A_53 : vector<512x8x128xf32>
      %swap3A = arith.constant 0 : index
      %swap3A_55 = arith.constant 0 : index
      %swap3A_56 = arith.constant 0 : index
      %swap3A_57 = vector.load %arg10[%swap3A, %swap3A_55, %swap3A_56] : memref<512x8x128xf32, #tpu.memory_space<vmem>>, vector<512x8x128xf32>
      tpu.vector_store %arg10[%swap3A, %swap3A_55, %swap3A_56], %add3A_54 {strides = array<i32>} : memref<512x8x128xf32, #tpu.memory_space<vmem>>, vector<512x8x128xf32>,
    } else {
    }
    %ne3A = arith.constant 0 : i32
    %ne3A_38 = arith.cmpi ne, %arg1, %ne3A : i32
    %convert_element_type3A_39 = arith.extui %ne3A_38 : i1 to i32
    %cond3A_40 = arith.constant 0 : i32
    %cond3A_41 = arith.cmpi ne, %convert_element_type3A_39, %cond3A_40 : i32
    scf.if %cond3A_41 {
      %get3A_47 = arith.constant 0 : index
      %get3A_48 = arith.constant 0 : index
      %get3A_49 = arith.constant 0 : index
      %get3A_50 = vector.load %arg10[%get3A_47, %get3A_48, %get3A_49] : memref<512x8x128xf32, #tpu.memory_space<vmem>>, vector<512x8x128xf32>
      %add3A_51 = arith.addf %get3A_50, %reshape3A : vector<512x8x128xf32>
      %swap3A = arith.constant 0 : index
      %swap3A_52 = arith.constant 0 : index
      %swap3A_53 = arith.constant 0 : index
      %swap3A_54 = vector.load %arg10[%swap3A, %swap3A_52, %swap3A_53] : memref<512x8x128xf32, #tpu.memory_space<vmem>>, vector<512x8x128xf32>
      tpu.vector_store %arg10[%swap3A, %swap3A_52, %swap3A_53], %add3A_51 {strides = array<i32>} : memref<512x8x128xf32, #tpu.memory_space<vmem>>, vector<512x8x128xf32>,
    } else {
    }
    %eq3A_42 = arith.constant 3 : i32
    %eq3A_43 = arith.cmpi eq, %arg1, %eq3A_42 : i32
    %convert_element_type3A_44 = arith.extui %eq3A_43 : i1 to i32
    %cond3A_45 = arith.constant 0 : i32
    %cond3A_46 = arith.cmpi ne, %convert_element_type3A_44, %cond3A_45 : i32
    scf.if %cond3A_46 {
      %eq3A_47 = arith.constant 0 : i32
      %eq3A_48 = arith.cmpi eq, %arg0, %eq3A_47 : i32
      %convert_element_type3A_49 = arith.extui %eq3A_48 : i1 to i32
      %cond3A_50 = arith.constant 0 : i32
      %cond3A_51 = arith.cmpi ne, %convert_element_type3A_49, %cond3A_50 : i32
      scf.if %cond3A_51 {
        %broadcast_in_dim3A_71 = arith.constant 0.000000e+00 : f32
        %broadcast_in_dim3A_72 = vector.broadcast %broadcast_in_dim3A_71 : f32 to vector<8192x8x128xf32>
        %swap3A_73 = arith.constant 0 : index
        %swap3A_74 = arith.constant 0 : index
        %swap3A_75 = arith.constant 0 : index
        %swap3A_76 = vector.load %arg9[%swap3A_73, %swap3A_74, %swap3A_75] : memref<8192x8x128xf32, #tpu.memory_space<vmem>>, vector<8192x8x128xf32>
        tpu.vector_store %arg9[%swap3A_73, %swap3A_74, %swap3A_75], %broadcast_in_dim3A_72 {strides = array<i32>} : memref<8192x8x128xf32, #tpu.memory_space<vmem>>, vector<8192x8x128xf32>,
      } else {
      }
      %get3A_52 = arith.constant 0 : index
      %get3A_53 = arith.constant 0 : index
      %get3A_54 = arith.constant 0 : index
      %get3A_55 = vector.load %arg8[%get3A_52, %get3A_53, %get3A_54] : memref<1x1x512xf32, #tpu.memory_space<vmem>>, vector<1x1x512xf32>
      %get3A_56 = vector.shape_cast %get3A_55 : vector<1x1x512xf32> to vector<512xf32>
      %reshape3A_57 = vector.shape_cast %get3A_56 : vector<512xf32> to vector<512x1x1xf32>
      %get3A_58 = arith.constant 0 : index
      %get3A_59 = arith.constant 0 : index
      %get3A_60 = arith.constant 0 : index
      %get3A_61 = vector.load %arg10[%get3A_58, %get3A_59, %get3A_60] : memref<512x8x128xf32, #tpu.memory_space<vmem>>, vector<512x8x128xf32>
      %mul3A_62 = vector.broadcast %reshape3A_57 : vector<512x1x1xf32> to vector<512x8x128xf32>
      %mul3A_63 = arith.mulf %get3A_61, %mul3A_62 : vector<512x8x128xf32>
      %swap3A = arith.constant 0 : index
      %swap3A_64 = arith.constant 0 : index
      %swap3A_65 = arith.constant 0 : index
      %swap3A_66 = vector.load %arg10[%swap3A, %swap3A_64, %swap3A_65] : memref<512x8x128xf32, #tpu.memory_space<vmem>>, vector<512x8x128xf32>
      tpu.vector_store %arg10[%swap3A, %swap3A_64, %swap3A_65], %mul3A_63 {strides = array<i32>} : memref<512x8x128xf32, #tpu.memory_space<vmem>>, vector<512x8x128xf32>,
      %scan3A = arith.constant 0 : i32
      %scan3A_67 = arith.constant 512 : i32
      %scan3A_68 = arith.addi %scan3A, %scan3A_67 : i32
      %scan3A_69 = arith.constant 16 : i32
      scf.for %scan3A_71 = %scan3A to %scan3A_68 step %scan3A_69  : i32 {
        %mul3A_72 = arith.constant 512 : i32
        %mul3A_73 = arith.muli %arg0, %mul3A_72 : i32
        %add3A_74 = arith.addi %mul3A_73, %scan3A_71 : i32
        %get3A_75 = arith.index_cast %add3A_74 : i32 to index
        %get3A_76 = memref.load %arg2[%get3A_75] : memref<8192xi32, #tpu.memory_space<smem>>
        %get3A_77 = arith.index_cast %get3A_76 : i32 to index
        %get3A_78 = arith.constant 0 : index
        %get3A_79 = arith.constant 0 : index
        %get3A_80 = vector.load %arg9[%get3A_77, %get3A_78, %get3A_79] : memref<8192x8x128xf32, #tpu.memory_space<vmem>>, vector<1x8x128xf32>
        %get3A_81 = vector.shape_cast %get3A_80 : vector<1x8x128xf32> to vector<8x128xf32>
        %get3A_82 = arith.index_cast %scan3A_71 : i32 to index
        %get3A_83 = arith.constant 0 : index
        %get3A_84 = arith.constant 0 : index
        %get3A_85 = vector.load %arg10[%get3A_82, %get3A_83, %get3A_84] : memref<512x8x128xf32, #tpu.memory_space<vmem>>, vector<1x8x128xf32>
        %get3A_86 = vector.shape_cast %get3A_85 : vector<1x8x128xf32> to vector<8x128xf32>
        %add3A_87 = arith.addf %get3A_81, %get3A_86 : vector<8x128xf32>
        %swap3A_88 = arith.index_cast %get3A_76 : i32 to index
        %swap3A_89 = arith.constant 0 : index
        %swap3A_90 = arith.constant 0 : index
        %swap3A_91 = vector.load %arg9[%swap3A_88, %swap3A_89, %swap3A_90] : memref<8192x8x128xf32, #tpu.memory_space<vmem>>, vector<1x8x128xf32>
        %swap3A_92 = vector.shape_cast %swap3A_91 : vector<1x8x128xf32> to vector<8x128xf32>
        %swap3A_93 = vector.shape_cast %add3A_87 : vector<8x128xf32> to vector<1x8x128xf32>
        tpu.vector_store %arg9[%swap3A_88, %swap3A_89, %swap3A_90], %swap3A_93 {strides = array<i32>} : memref<8192x8x128xf32, #tpu.memory_space<vmem>>, vector<1x8x128xf32>,
        %scan3A_94 = arith.constant 1 : i32
        %scan3A_95 = arith.addi %scan3A_71, %scan3A_94 : i32
        %mul3A_96 = arith.constant 512 : i32
        %mul3A_97 = arith.muli %arg0, %mul3A_96 : i32
        %add3A_98 = arith.addi %mul3A_97, %scan3A_95 : i32
        %get3A_99 = arith.index_cast %add3A_98 : i32 to index
        %get3A_100 = memref.load %arg2[%get3A_99] : memref<8192xi32, #tpu.memory_space<smem>>
        %get3A_101 = arith.index_cast %get3A_100 : i32 to index
        %get3A_102 = arith.constant 0 : index
        %get3A_103 = arith.constant 0 : index
        %get3A_104 = vector.load %arg9[%get3A_101, %get3A_102, %get3A_103] : memref<8192x8x128xf32, #tpu.memory_space<vmem>>, vector<1x8x128xf32>
        %get3A_105 = vector.shape_cast %get3A_104 : vector<1x8x128xf32> to vector<8x128xf32>
        %get3A_106 = arith.index_cast %scan3A_95 : i32 to index
        %get3A_107 = arith.constant 0 : index
        %get3A_108 = arith.constant 0 : index
        %get3A_109 = vector.load %arg10[%get3A_106, %get3A_107, %get3A_108] : memref<512x8x128xf32, #tpu.memory_space<vmem>>, vector<1x8x128xf32>
        %get3A_110 = vector.shape_cast %get3A_109 : vector<1x8x128xf32> to vector<8x128xf32>
        %add3A_111 = arith.addf %get3A_105, %get3A_110 : vector<8x128xf32>
        %swap3A_112 = arith.index_cast %get3A_100 : i32 to index
        %swap3A_113 = arith.constant 0 : index
        %swap3A_114 = arith.constant 0 : index
        %swap3A_115 = vector.load %arg9[%swap3A_112, %swap3A_113, %swap3A_114] : memref<8192x8x128xf32, #tpu.memory_space<vmem>>, vector<1x8x128xf32>
        %swap3A_116 = vector.shape_cast %swap3A_115 : vector<1x8x128xf32> to vector<8x128xf32>
        %swap3A_117 = vector.shape_cast %add3A_111 : vector<8x128xf32> to vector<1x8x128xf32>
        tpu.vector_store %arg9[%swap3A_112, %swap3A_113, %swap3A_114], %swap3A_117 {strides = array<i32>} : memref<8192x8x128xf32, #tpu.memory_space<vmem>>, vector<1x8x128xf32>,
        %scan3A_118 = arith.constant 2 : i32
        %scan3A_119 = arith.addi %scan3A_71, %scan3A_118 : i32
        %mul3A_120 = arith.constant 512 : i32
        %mul3A_121 = arith.muli %arg0, %mul3A_120 : i32
        %add3A_122 = arith.addi %mul3A_121, %scan3A_119 : i32
        %get3A_123 = arith.index_cast %add3A_122 : i32 to index
        %get3A_124 = memref.load %arg2[%get3A_123] : memref<8192xi32, #tpu.memory_space<smem>>
        %get3A_125 = arith.index_cast %get3A_124 : i32 to index
        %get3A_126 = arith.constant 0 : index
        %get3A_127 = arith.constant 0 : index
        %get3A_128 = vector.load %arg9[%get3A_125, %get3A_126, %get3A_127] : memref<8192x8x128xf32, #tpu.memory_space<vmem>>, vector<1x8x128xf32>
        %get3A_129 = vector.shape_cast %get3A_128 : vector<1x8x128xf32> to vector<8x128xf32>
        %get3A_130 = arith.index_cast %scan3A_119 : i32 to index
        %get3A_131 = arith.constant 0 : index
        %get3A_132 = arith.constant 0 : index
        %get3A_133 = vector.load %arg10[%get3A_130, %get3A_131, %get3A_132] : memref<512x8x128xf32, #tpu.memory_space<vmem>>, vector<1x8x128xf32>
        %get3A_134 = vector.shape_cast %get3A_133 : vector<1x8x128xf32> to vector<8x128xf32>
        %add3A_135 = arith.addf %get3A_129, %get3A_134 : vector<8x128xf32>
        %swap3A_136 = arith.index_cast %get3A_124 : i32 to index
        %swap3A_137 = arith.constant 0 : index
        %swap3A_138 = arith.constant 0 : index
        %swap3A_139 = vector.load %arg9[%swap3A_136, %swap3A_137, %swap3A_138] : memref<8192x8x128xf32, #tpu.memory_space<vmem>>, vector<1x8x128xf32>
        %swap3A_140 = vector.shape_cast %swap3A_139 : vector<1x8x128xf32> to vector<8x128xf32>
        %swap3A_141 = vector.shape_cast %add3A_135 : vector<8x128xf32> to vector<1x8x128xf32>
        tpu.vector_store %arg9[%swap3A_136, %swap3A_137, %swap3A_138], %swap3A_141 {strides = array<i32>} : memref<8192x8x128xf32, #tpu.memory_space<vmem>>, vector<1x8x128xf32>,
        %scan3A_142 = arith.constant 3 : i32
        %scan3A_143 = arith.addi %scan3A_71, %scan3A_142 : i32
        %mul3A_144 = arith.constant 512 : i32
        %mul3A_145 = arith.muli %arg0, %mul3A_144 : i32
        %add3A_146 = arith.addi %mul3A_145, %scan3A_143 : i32
        %get3A_147 = arith.index_cast %add3A_146 : i32 to index
        %get3A_148 = memref.load %arg2[%get3A_147] : memref<8192xi32, #tpu.memory_space<smem>>
        %get3A_149 = arith.index_cast %get3A_148 : i32 to index
        %get3A_150 = arith.constant 0 : index
        %get3A_151 = arith.constant 0 : index
        %get3A_152 = vector.load %arg9[%get3A_149, %get3A_150, %get3A_151] : memref<8192x8x128xf32, #tpu.memory_space<vmem>>, vector<1x8x128xf32>
        %get3A_153 = vector.shape_cast %get3A_152 : vector<1x8x128xf32> to vector<8x128xf32>
        %get3A_154 = arith.index_cast %scan3A_143 : i32 to index
        %get3A_155 = arith.constant 0 : index
        %get3A_156 = arith.constant 0 : index
        %get3A_157 = vector.load %arg10[%get3A_154, %get3A_155, %get3A_156] : memref<512x8x128xf32, #tpu.memory_space<vmem>>, vector<1x8x128xf32>
        %get3A_158 = vector.shape_cast %get3A_157 : vector<1x8x128xf32> to vector<8x128xf32>
        %add3A_159 = arith.addf %get3A_153, %get3A_158 : vector<8x128xf32>
        %swap3A_160 = arith.index_cast %get3A_148 : i32 to index
        %swap3A_161 = arith.constant 0 : index
        %swap3A_162 = arith.constant 0 : index
        %swap3A_163 = vector.load %arg9[%swap3A_160, %swap3A_161, %swap3A_162] : memref<8192x8x128xf32, #tpu.memory_space<vmem>>, vector<1x8x128xf32>
        %swap3A_164 = vector.shape_cast %swap3A_163 : vector<1x8x128xf32> to vector<8x128xf32>
        %swap3A_165 = vector.shape_cast %add3A_159 : vector<8x128xf32> to vector<1x8x128xf32>
        tpu.vector_store %arg9[%swap3A_160, %swap3A_161, %swap3A_162], %swap3A_165 {strides = array<i32>} : memref<8192x8x128xf32, #tpu.memory_space<vmem>>, vector<1x8x128xf32>,
        %scan3A_166 = arith.constant 4 : i32
        %scan3A_167 = arith.addi %scan3A_71, %scan3A_166 : i32
        %mul3A_168 = arith.constant 512 : i32
        %mul3A_169 = arith.muli %arg0, %mul3A_168 : i32
        %add3A_170 = arith.addi %mul3A_169, %scan3A_167 : i32
        %get3A_171 = arith.index_cast %add3A_170 : i32 to index
        %get3A_172 = memref.load %arg2[%get3A_171] : memref<8192xi32, #tpu.memory_space<smem>>
        %get3A_173 = arith.index_cast %get3A_172 : i32 to index
        %get3A_174 = arith.constant 0 : index
        %get3A_175 = arith.constant 0 : index
        %get3A_176 = vector.load %arg9[%get3A_173, %get3A_174, %get3A_175] : memref<8192x8x128xf32, #tpu.memory_space<vmem>>, vector<1x8x128xf32>
        %get3A_177 = vector.shape_cast %get3A_176 : vector<1x8x128xf32> to vector<8x128xf32>
        %get3A_178 = arith.index_cast %scan3A_167 : i32 to index
        %get3A_179 = arith.constant 0 : index
        %get3A_180 = arith.constant 0 : index
        %get3A_181 = vector.load %arg10[%get3A_178, %get3A_179, %get3A_180] : memref<512x8x128xf32, #tpu.memory_space<vmem>>, vector<1x8x128xf32>
        %get3A_182 = vector.shape_cast %get3A_181 : vector<1x8x128xf32> to vector<8x128xf32>
        %add3A_183 = arith.addf %get3A_177, %get3A_182 : vector<8x128xf32>
        %swap3A_184 = arith.index_cast %get3A_172 : i32 to index
        %swap3A_185 = arith.constant 0 : index
        %swap3A_186 = arith.constant 0 : index
        %swap3A_187 = vector.load %arg9[%swap3A_184, %swap3A_185, %swap3A_186] : memref<8192x8x128xf32, #tpu.memory_space<vmem>>, vector<1x8x128xf32>
        %swap3A_188 = vector.shape_cast %swap3A_187 : vector<1x8x128xf32> to vector<8x128xf32>
        %swap3A_189 = vector.shape_cast %add3A_183 : vector<8x128xf32> to vector<1x8x128xf32>
        tpu.vector_store %arg9[%swap3A_184, %swap3A_185, %swap3A_186], %swap3A_189 {strides = array<i32>} : memref<8192x8x128xf32, #tpu.memory_space<vmem>>, vector<1x8x128xf32>,
        %scan3A_190 = arith.constant 5 : i32
        %scan3A_191 = arith.addi %scan3A_71, %scan3A_190 : i32
        %mul3A_192 = arith.constant 512 : i32
        %mul3A_193 = arith.muli %arg0, %mul3A_192 : i32
        %add3A_194 = arith.addi %mul3A_193, %scan3A_191 : i32
        %get3A_195 = arith.index_cast %add3A_194 : i32 to index
        %get3A_196 = memref.load %arg2[%get3A_195] : memref<8192xi32, #tpu.memory_space<smem>>
        %get3A_197 = arith.index_cast %get3A_196 : i32 to index
        %get3A_198 = arith.constant 0 : index
        %get3A_199 = arith.constant 0 : index
        %get3A_200 = vector.load %arg9[%get3A_197, %get3A_198, %get3A_199] : memref<8192x8x128xf32, #tpu.memory_space<vmem>>, vector<1x8x128xf32>
        %get3A_201 = vector.shape_cast %get3A_200 : vector<1x8x128xf32> to vector<8x128xf32>
        %get3A_202 = arith.index_cast %scan3A_191 : i32 to index
        %get3A_203 = arith.constant 0 : index
        %get3A_204 = arith.constant 0 : index
        %get3A_205 = vector.load %arg10[%get3A_202, %get3A_203, %get3A_204] : memref<512x8x128xf32, #tpu.memory_space<vmem>>, vector<1x8x128xf32>
        %get3A_206 = vector.shape_cast %get3A_205 : vector<1x8x128xf32> to vector<8x128xf32>
        %add3A_207 = arith.addf %get3A_201, %get3A_206 : vector<8x128xf32>
        %swap3A_208 = arith.index_cast %get3A_196 : i32 to index
        %swap3A_209 = arith.constant 0 : index
        %swap3A_210 = arith.constant 0 : index
        %swap3A_211 = vector.load %arg9[%swap3A_208, %swap3A_209, %swap3A_210] : memref<8192x8x128xf32, #tpu.memory_space<vmem>>, vector<1x8x128xf32>
        %swap3A_212 = vector.shape_cast %swap3A_211 : vector<1x8x128xf32> to vector<8x128xf32>
        %swap3A_213 = vector.shape_cast %add3A_207 : vector<8x128xf32> to vector<1x8x128xf32>
        tpu.vector_store %arg9[%swap3A_208, %swap3A_209, %swap3A_210], %swap3A_213 {strides = array<i32>} : memref<8192x8x128xf32, #tpu.memory_space<vmem>>, vector<1x8x128xf32>,
        %scan3A_214 = arith.constant 6 : i32
        %scan3A_215 = arith.addi %scan3A_71, %scan3A_214 : i32
        %mul3A_216 = arith.constant 512 : i32
        %mul3A_217 = arith.muli %arg0, %mul3A_216 : i32
        %add3A_218 = arith.addi %mul3A_217, %scan3A_215 : i32
        %get3A_219 = arith.index_cast %add3A_218 : i32 to index
        %get3A_220 = memref.load %arg2[%get3A_219] : memref<8192xi32, #tpu.memory_space<smem>>
        %get3A_221 = arith.index_cast %get3A_220 : i32 to index
        %get3A_222 = arith.constant 0 : index
        %get3A_223 = arith.constant 0 : index
        %get3A_224 = vector.load %arg9[%get3A_221, %get3A_222, %get3A_223] : memref<8192x8x128xf32, #tpu.memory_space<vmem>>, vector<1x8x128xf32>
        %get3A_225 = vector.shape_cast %get3A_224 : vector<1x8x128xf32> to vector<8x128xf32>
        %get3A_226 = arith.index_cast %scan3A_215 : i32 to index
        %get3A_227 = arith.constant 0 : index
        %get3A_228 = arith.constant 0 : index
        %get3A_229 = vector.load %arg10[%get3A_226, %get3A_227, %get3A_228] : memref<512x8x128xf32, #tpu.memory_space<vmem>>, vector<1x8x128xf32>
        %get3A_230 = vector.shape_cast %get3A_229 : vector<1x8x128xf32> to vector<8x128xf32>
        %add3A_231 = arith.addf %get3A_225, %get3A_230 : vector<8x128xf32>
        %swap3A_232 = arith.index_cast %get3A_220 : i32 to index
        %swap3A_233 = arith.constant 0 : index
        %swap3A_234 = arith.constant 0 : index
        %swap3A_235 = vector.load %arg9[%swap3A_232, %swap3A_233, %swap3A_234] : memref<8192x8x128xf32, #tpu.memory_space<vmem>>, vector<1x8x128xf32>
        %swap3A_236 = vector.shape_cast %swap3A_235 : vector<1x8x128xf32> to vector<8x128xf32>
        %swap3A_237 = vector.shape_cast %add3A_231 : vector<8x128xf32> to vector<1x8x128xf32>
        tpu.vector_store %arg9[%swap3A_232, %swap3A_233, %swap3A_234], %swap3A_237 {strides = array<i32>} : memref<8192x8x128xf32, #tpu.memory_space<vmem>>, vector<1x8x128xf32>,
        %scan3A_238 = arith.constant 7 : i32
        %scan3A_239 = arith.addi %scan3A_71, %scan3A_238 : i32
        %mul3A_240 = arith.constant 512 : i32
        %mul3A_241 = arith.muli %arg0, %mul3A_240 : i32
        %add3A_242 = arith.addi %mul3A_241, %scan3A_239 : i32
        %get3A_243 = arith.index_cast %add3A_242 : i32 to index
        %get3A_244 = memref.load %arg2[%get3A_243] : memref<8192xi32, #tpu.memory_space<smem>>
        %get3A_245 = arith.index_cast %get3A_244 : i32 to index
        %get3A_246 = arith.constant 0 : index
        %get3A_247 = arith.constant 0 : index
        %get3A_248 = vector.load %arg9[%get3A_245, %get3A_246, %get3A_247] : memref<8192x8x128xf32, #tpu.memory_space<vmem>>, vector<1x8x128xf32>
        %get3A_249 = vector.shape_cast %get3A_248 : vector<1x8x128xf32> to vector<8x128xf32>
        %get3A_250 = arith.index_cast %scan3A_239 : i32 to index
        %get3A_251 = arith.constant 0 : index
        %get3A_252 = arith.constant 0 : index
        %get3A_253 = vector.load %arg10[%get3A_250, %get3A_251, %get3A_252] : memref<512x8x128xf32, #tpu.memory_space<vmem>>, vector<1x8x128xf32>
        %get3A_254 = vector.shape_cast %get3A_253 : vector<1x8x128xf32> to vector<8x128xf32>
        %add3A_255 = arith.addf %get3A_249, %get3A_254 : vector<8x128xf32>
        %swap3A_256 = arith.index_cast %get3A_244 : i32 to index
        %swap3A_257 = arith.constant 0 : index
        %swap3A_258 = arith.constant 0 : index
        %swap3A_259 = vector.load %arg9[%swap3A_256, %swap3A_257, %swap3A_258] : memref<8192x8x128xf32, #tpu.memory_space<vmem>>, vector<1x8x128xf32>
        %swap3A_260 = vector.shape_cast %swap3A_259 : vector<1x8x128xf32> to vector<8x128xf32>
        %swap3A_261 = vector.shape_cast %add3A_255 : vector<8x128xf32> to vector<1x8x128xf32>
        tpu.vector_store %arg9[%swap3A_256, %swap3A_257, %swap3A_258], %swap3A_261 {strides = array<i32>} : memref<8192x8x128xf32, #tpu.memory_space<vmem>>, vector<1x8x128xf32>,
        %scan3A_262 = arith.constant 8 : i32
        %scan3A_263 = arith.addi %scan3A_71, %scan3A_262 : i32
        %mul3A_264 = arith.constant 512 : i32
        %mul3A_265 = arith.muli %arg0, %mul3A_264 : i32
        %add3A_266 = arith.addi %mul3A_265, %scan3A_263 : i32
        %get3A_267 = arith.index_cast %add3A_266 : i32 to index
        %get3A_268 = memref.load %arg2[%get3A_267] : memref<8192xi32, #tpu.memory_space<smem>>
        %get3A_269 = arith.index_cast %get3A_268 : i32 to index
        %get3A_270 = arith.constant 0 : index
        %get3A_271 = arith.constant 0 : index
        %get3A_272 = vector.load %arg9[%get3A_269, %get3A_270, %get3A_271] : memref<8192x8x128xf32, #tpu.memory_space<vmem>>, vector<1x8x128xf32>
        %get3A_273 = vector.shape_cast %get3A_272 : vector<1x8x128xf32> to vector<8x128xf32>
        %get3A_274 = arith.index_cast %scan3A_263 : i32 to index
        %get3A_275 = arith.constant 0 : index
        %get3A_276 = arith.constant 0 : index
        %get3A_277 = vector.load %arg10[%get3A_274, %get3A_275, %get3A_276] : memref<512x8x128xf32, #tpu.memory_space<vmem>>, vector<1x8x128xf32>
        %get3A_278 = vector.shape_cast %get3A_277 : vector<1x8x128xf32> to vector<8x128xf32>
        %add3A_279 = arith.addf %get3A_273, %get3A_278 : vector<8x128xf32>
        %swap3A_280 = arith.index_cast %get3A_268 : i32 to index
        %swap3A_281 = arith.constant 0 : index
        %swap3A_282 = arith.constant 0 : index
        %swap3A_283 = vector.load %arg9[%swap3A_280, %swap3A_281, %swap3A_282] : memref<8192x8x128xf32, #tpu.memory_space<vmem>>, vector<1x8x128xf32>
        %swap3A_284 = vector.shape_cast %swap3A_283 : vector<1x8x128xf32> to vector<8x128xf32>
        %swap3A_285 = vector.shape_cast %add3A_279 : vector<8x128xf32> to vector<1x8x128xf32>
        tpu.vector_store %arg9[%swap3A_280, %swap3A_281, %swap3A_282], %swap3A_285 {strides = array<i32>} : memref<8192x8x128xf32, #tpu.memory_space<vmem>>, vector<1x8x128xf32>,
        %scan3A_286 = arith.constant 9 : i32
        %scan3A_287 = arith.addi %scan3A_71, %scan3A_286 : i32
        %mul3A_288 = arith.constant 512 : i32
        %mul3A_289 = arith.muli %arg0, %mul3A_288 : i32
        %add3A_290 = arith.addi %mul3A_289, %scan3A_287 : i32
        %get3A_291 = arith.index_cast %add3A_290 : i32 to index
        %get3A_292 = memref.load %arg2[%get3A_291] : memref<8192xi32, #tpu.memory_space<smem>>
        %get3A_293 = arith.index_cast %get3A_292 : i32 to index
        %get3A_294 = arith.constant 0 : index
        %get3A_295 = arith.constant 0 : index
        %get3A_296 = vector.load %arg9[%get3A_293, %get3A_294, %get3A_295] : memref<8192x8x128xf32, #tpu.memory_space<vmem>>, vector<1x8x128xf32>
        %get3A_297 = vector.shape_cast %get3A_296 : vector<1x8x128xf32> to vector<8x128xf32>
        %get3A_298 = arith.index_cast %scan3A_287 : i32 to index
        %get3A_299 = arith.constant 0 : index
        %get3A_300 = arith.constant 0 : index
        %get3A_301 = vector.load %arg10[%get3A_298, %get3A_299, %get3A_300] : memref<512x8x128xf32, #tpu.memory_space<vmem>>, vector<1x8x128xf32>
        %get3A_302 = vector.shape_cast %get3A_301 : vector<1x8x128xf32> to vector<8x128xf32>
        %add3A_303 = arith.addf %get3A_297, %get3A_302 : vector<8x128xf32>
        %swap3A_304 = arith.index_cast %get3A_292 : i32 to index
        %swap3A_305 = arith.constant 0 : index
        %swap3A_306 = arith.constant 0 : index
        %swap3A_307 = vector.load %arg9[%swap3A_304, %swap3A_305, %swap3A_306] : memref<8192x8x128xf32, #tpu.memory_space<vmem>>, vector<1x8x128xf32>
        %swap3A_308 = vector.shape_cast %swap3A_307 : vector<1x8x128xf32> to vector<8x128xf32>
        %swap3A_309 = vector.shape_cast %add3A_303 : vector<8x128xf32> to vector<1x8x128xf32>
        tpu.vector_store %arg9[%swap3A_304, %swap3A_305, %swap3A_306], %swap3A_309 {strides = array<i32>} : memref<8192x8x128xf32, #tpu.memory_space<vmem>>, vector<1x8x128xf32>,
        %scan3A_310 = arith.constant 10 : i32
        %scan3A_311 = arith.addi %scan3A_71, %scan3A_310 : i32
        %mul3A_312 = arith.constant 512 : i32
        %mul3A_313 = arith.muli %arg0, %mul3A_312 : i32
        %add3A_314 = arith.addi %mul3A_313, %scan3A_311 : i32
        %get3A_315 = arith.index_cast %add3A_314 : i32 to index
        %get3A_316 = memref.load %arg2[%get3A_315] : memref<8192xi32, #tpu.memory_space<smem>>
        %get3A_317 = arith.index_cast %get3A_316 : i32 to index
        %get3A_318 = arith.constant 0 : index
        %get3A_319 = arith.constant 0 : index
        %get3A_320 = vector.load %arg9[%get3A_317, %get3A_318, %get3A_319] : memref<8192x8x128xf32, #tpu.memory_space<vmem>>, vector<1x8x128xf32>
        %get3A_321 = vector.shape_cast %get3A_320 : vector<1x8x128xf32> to vector<8x128xf32>
        %get3A_322 = arith.index_cast %scan3A_311 : i32 to index
        %get3A_323 = arith.constant 0 : index
        %get3A_324 = arith.constant 0 : index
        %get3A_325 = vector.load %arg10[%get3A_322, %get3A_323, %get3A_324] : memref<512x8x128xf32, #tpu.memory_space<vmem>>, vector<1x8x128xf32>
        %get3A_326 = vector.shape_cast %get3A_325 : vector<1x8x128xf32> to vector<8x128xf32>
        %add3A_327 = arith.addf %get3A_321, %get3A_326 : vector<8x128xf32>
        %swap3A_328 = arith.index_cast %get3A_316 : i32 to index
        %swap3A_329 = arith.constant 0 : index
        %swap3A_330 = arith.constant 0 : index
        %swap3A_331 = vector.load %arg9[%swap3A_328, %swap3A_329, %swap3A_330] : memref<8192x8x128xf32, #tpu.memory_space<vmem>>, vector<1x8x128xf32>
        %swap3A_332 = vector.shape_cast %swap3A_331 : vector<1x8x128xf32> to vector<8x128xf32>
        %swap3A_333 = vector.shape_cast %add3A_327 : vector<8x128xf32> to vector<1x8x128xf32>
        tpu.vector_store %arg9[%swap3A_328, %swap3A_329, %swap3A_330], %swap3A_333 {strides = array<i32>} : memref<8192x8x128xf32, #tpu.memory_space<vmem>>, vector<1x8x128xf32>,
        %scan3A_334 = arith.constant 11 : i32
        %scan3A_335 = arith.addi %scan3A_71, %scan3A_334 : i32
        %mul3A_336 = arith.constant 512 : i32
        %mul3A_337 = arith.muli %arg0, %mul3A_336 : i32
        %add3A_338 = arith.addi %mul3A_337, %scan3A_335 : i32
        %get3A_339 = arith.index_cast %add3A_338 : i32 to index
        %get3A_340 = memref.load %arg2[%get3A_339] : memref<8192xi32, #tpu.memory_space<smem>>
        %get3A_341 = arith.index_cast %get3A_340 : i32 to index
        %get3A_342 = arith.constant 0 : index
        %get3A_343 = arith.constant 0 : index
        %get3A_344 = vector.load %arg9[%get3A_341, %get3A_342, %get3A_343] : memref<8192x8x128xf32, #tpu.memory_space<vmem>>, vector<1x8x128xf32>
        %get3A_345 = vector.shape_cast %get3A_344 : vector<1x8x128xf32> to vector<8x128xf32>
        %get3A_346 = arith.index_cast %scan3A_335 : i32 to index
        %get3A_347 = arith.constant 0 : index
        %get3A_348 = arith.constant 0 : index
        %get3A_349 = vector.load %arg10[%get3A_346, %get3A_347, %get3A_348] : memref<512x8x128xf32, #tpu.memory_space<vmem>>, vector<1x8x128xf32>
        %get3A_350 = vector.shape_cast %get3A_349 : vector<1x8x128xf32> to vector<8x128xf32>
        %add3A_351 = arith.addf %get3A_345, %get3A_350 : vector<8x128xf32>
        %swap3A_352 = arith.index_cast %get3A_340 : i32 to index
        %swap3A_353 = arith.constant 0 : index
        %swap3A_354 = arith.constant 0 : index
        %swap3A_355 = vector.load %arg9[%swap3A_352, %swap3A_353, %swap3A_354] : memref<8192x8x128xf32, #tpu.memory_space<vmem>>, vector<1x8x128xf32>
        %swap3A_356 = vector.shape_cast %swap3A_355 : vector<1x8x128xf32> to vector<8x128xf32>
        %swap3A_357 = vector.shape_cast %add3A_351 : vector<8x128xf32> to vector<1x8x128xf32>
        tpu.vector_store %arg9[%swap3A_352, %swap3A_353, %swap3A_354], %swap3A_357 {strides = array<i32>} : memref<8192x8x128xf32, #tpu.memory_space<vmem>>, vector<1x8x128xf32>,
        %scan3A_358 = arith.constant 12 : i32
        %scan3A_359 = arith.addi %scan3A_71, %scan3A_358 : i32
        %mul3A_360 = arith.constant 512 : i32
        %mul3A_361 = arith.muli %arg0, %mul3A_360 : i32
        %add3A_362 = arith.addi %mul3A_361, %scan3A_359 : i32
        %get3A_363 = arith.index_cast %add3A_362 : i32 to index
        %get3A_364 = memref.load %arg2[%get3A_363] : memref<8192xi32, #tpu.memory_space<smem>>
        %get3A_365 = arith.index_cast %get3A_364 : i32 to index
        %get3A_366 = arith.constant 0 : index
        %get3A_367 = arith.constant 0 : index
        %get3A_368 = vector.load %arg9[%get3A_365, %get3A_366, %get3A_367] : memref<8192x8x128xf32, #tpu.memory_space<vmem>>, vector<1x8x128xf32>
        %get3A_369 = vector.shape_cast %get3A_368 : vector<1x8x128xf32> to vector<8x128xf32>
        %get3A_370 = arith.index_cast %scan3A_359 : i32 to index
        %get3A_371 = arith.constant 0 : index
        %get3A_372 = arith.constant 0 : index
        %get3A_373 = vector.load %arg10[%get3A_370, %get3A_371, %get3A_372] : memref<512x8x128xf32, #tpu.memory_space<vmem>>, vector<1x8x128xf32>
        %get3A_374 = vector.shape_cast %get3A_373 : vector<1x8x128xf32> to vector<8x128xf32>
        %add3A_375 = arith.addf %get3A_369, %get3A_374 : vector<8x128xf32>
        %swap3A_376 = arith.index_cast %get3A_364 : i32 to index
        %swap3A_377 = arith.constant 0 : index
        %swap3A_378 = arith.constant 0 : index
        %swap3A_379 = vector.load %arg9[%swap3A_376, %swap3A_377, %swap3A_378] : memref<8192x8x128xf32, #tpu.memory_space<vmem>>, vector<1x8x128xf32>
        %swap3A_380 = vector.shape_cast %swap3A_379 : vector<1x8x128xf32> to vector<8x128xf32>
        %swap3A_381 = vector.shape_cast %add3A_375 : vector<8x128xf32> to vector<1x8x128xf32>
        tpu.vector_store %arg9[%swap3A_376, %swap3A_377, %swap3A_378], %swap3A_381 {strides = array<i32>} : memref<8192x8x128xf32, #tpu.memory_space<vmem>>, vector<1x8x128xf32>,
        %scan3A_382 = arith.constant 13 : i32
        %scan3A_383 = arith.addi %scan3A_71, %scan3A_382 : i32
        %mul3A_384 = arith.constant 512 : i32
        %mul3A_385 = arith.muli %arg0, %mul3A_384 : i32
        %add3A_386 = arith.addi %mul3A_385, %scan3A_383 : i32
        %get3A_387 = arith.index_cast %add3A_386 : i32 to index
        %get3A_388 = memref.load %arg2[%get3A_387] : memref<8192xi32, #tpu.memory_space<smem>>
        %get3A_389 = arith.index_cast %get3A_388 : i32 to index
        %get3A_390 = arith.constant 0 : index
        %get3A_391 = arith.constant 0 : index
        %get3A_392 = vector.load %arg9[%get3A_389, %get3A_390, %get3A_391] : memref<8192x8x128xf32, #tpu.memory_space<vmem>>, vector<1x8x128xf32>
        %get3A_393 = vector.shape_cast %get3A_392 : vector<1x8x128xf32> to vector<8x128xf32>
        %get3A_394 = arith.index_cast %scan3A_383 : i32 to index
        %get3A_395 = arith.constant 0 : index
        %get3A_396 = arith.constant 0 : index
        %get3A_397 = vector.load %arg10[%get3A_394, %get3A_395, %get3A_396] : memref<512x8x128xf32, #tpu.memory_space<vmem>>, vector<1x8x128xf32>
        %get3A_398 = vector.shape_cast %get3A_397 : vector<1x8x128xf32> to vector<8x128xf32>
        %add3A_399 = arith.addf %get3A_393, %get3A_398 : vector<8x128xf32>
        %swap3A_400 = arith.index_cast %get3A_388 : i32 to index
        %swap3A_401 = arith.constant 0 : index
        %swap3A_402 = arith.constant 0 : index
        %swap3A_403 = vector.load %arg9[%swap3A_400, %swap3A_401, %swap3A_402] : memref<8192x8x128xf32, #tpu.memory_space<vmem>>, vector<1x8x128xf32>
        %swap3A_404 = vector.shape_cast %swap3A_403 : vector<1x8x128xf32> to vector<8x128xf32>
        %swap3A_405 = vector.shape_cast %add3A_399 : vector<8x128xf32> to vector<1x8x128xf32>
        tpu.vector_store %arg9[%swap3A_400, %swap3A_401, %swap3A_402], %swap3A_405 {strides = array<i32>} : memref<8192x8x128xf32, #tpu.memory_space<vmem>>, vector<1x8x128xf32>,
        %scan3A_406 = arith.constant 14 : i32
        %scan3A_407 = arith.addi %scan3A_71, %scan3A_406 : i32
        %mul3A_408 = arith.constant 512 : i32
        %mul3A_409 = arith.muli %arg0, %mul3A_408 : i32
        %add3A_410 = arith.addi %mul3A_409, %scan3A_407 : i32
        %get3A_411 = arith.index_cast %add3A_410 : i32 to index
        %get3A_412 = memref.load %arg2[%get3A_411] : memref<8192xi32, #tpu.memory_space<smem>>
        %get3A_413 = arith.index_cast %get3A_412 : i32 to index
        %get3A_414 = arith.constant 0 : index
        %get3A_415 = arith.constant 0 : index
        %get3A_416 = vector.load %arg9[%get3A_413, %get3A_414, %get3A_415] : memref<8192x8x128xf32, #tpu.memory_space<vmem>>, vector<1x8x128xf32>
        %get3A_417 = vector.shape_cast %get3A_416 : vector<1x8x128xf32> to vector<8x128xf32>
        %get3A_418 = arith.index_cast %scan3A_407 : i32 to index
        %get3A_419 = arith.constant 0 : index
        %get3A_420 = arith.constant 0 : index
        %get3A_421 = vector.load %arg10[%get3A_418, %get3A_419, %get3A_420] : memref<512x8x128xf32, #tpu.memory_space<vmem>>, vector<1x8x128xf32>
        %get3A_422 = vector.shape_cast %get3A_421 : vector<1x8x128xf32> to vector<8x128xf32>
        %add3A_423 = arith.addf %get3A_417, %get3A_422 : vector<8x128xf32>
        %swap3A_424 = arith.index_cast %get3A_412 : i32 to index
        %swap3A_425 = arith.constant 0 : index
        %swap3A_426 = arith.constant 0 : index
        %swap3A_427 = vector.load %arg9[%swap3A_424, %swap3A_425, %swap3A_426] : memref<8192x8x128xf32, #tpu.memory_space<vmem>>, vector<1x8x128xf32>
        %swap3A_428 = vector.shape_cast %swap3A_427 : vector<1x8x128xf32> to vector<8x128xf32>
        %swap3A_429 = vector.shape_cast %add3A_423 : vector<8x128xf32> to vector<1x8x128xf32>
        tpu.vector_store %arg9[%swap3A_424, %swap3A_425, %swap3A_426], %swap3A_429 {strides = array<i32>} : memref<8192x8x128xf32, #tpu.memory_space<vmem>>, vector<1x8x128xf32>,
        %scan3A_430 = arith.constant 15 : i32
        %scan3A_431 = arith.addi %scan3A_71, %scan3A_430 : i32
        %mul3A_432 = arith.constant 512 : i32
        %mul3A_433 = arith.muli %arg0, %mul3A_432 : i32
        %add3A_434 = arith.addi %mul3A_433, %scan3A_431 : i32
        %get3A_435 = arith.index_cast %add3A_434 : i32 to index
        %get3A_436 = memref.load %arg2[%get3A_435] : memref<8192xi32, #tpu.memory_space<smem>>
        %get3A_437 = arith.index_cast %get3A_436 : i32 to index
        %get3A_438 = arith.constant 0 : index
        %get3A_439 = arith.constant 0 : index
        %get3A_440 = vector.load %arg9[%get3A_437, %get3A_438, %get3A_439] : memref<8192x8x128xf32, #tpu.memory_space<vmem>>, vector<1x8x128xf32>
        %get3A_441 = vector.shape_cast %get3A_440 : vector<1x8x128xf32> to vector<8x128xf32>
        %get3A_442 = arith.index_cast %scan3A_431 : i32 to index
        %get3A_443 = arith.constant 0 : index
        %get3A_444 = arith.constant 0 : index
        %get3A_445 = vector.load %arg10[%get3A_442, %get3A_443, %get3A_444] : memref<512x8x128xf32, #tpu.memory_space<vmem>>, vector<1x8x128xf32>
        %get3A_446 = vector.shape_cast %get3A_445 : vector<1x8x128xf32> to vector<8x128xf32>
        %add3A_447 = arith.addf %get3A_441, %get3A_446 : vector<8x128xf32>
        %swap3A_448 = arith.index_cast %get3A_436 : i32 to index
        %swap3A_449 = arith.constant 0 : index
        %swap3A_450 = arith.constant 0 : index
        %swap3A_451 = vector.load %arg9[%swap3A_448, %swap3A_449, %swap3A_450] : memref<8192x8x128xf32, #tpu.memory_space<vmem>>, vector<1x8x128xf32>
        %swap3A_452 = vector.shape_cast %swap3A_451 : vector<1x8x128xf32> to vector<8x128xf32>
        %swap3A_453 = vector.shape_cast %add3A_447 : vector<8x128xf32> to vector<1x8x128xf32>
        tpu.vector_store %arg9[%swap3A_448, %swap3A_449, %swap3A_450], %swap3A_453 {strides = array<i32>} : memref<8192x8x128xf32, #tpu.memory_space<vmem>>, vector<1x8x128xf32>,
      }
      %scan3A_70 = arith.constant 512 : i32
    } else {
    }
    return
  }
  func.func @transform_0(%arg0: i32, %arg1: i32) -> i32 {
    %c0_i32 = arith.constant 0 : i32
    %c0_i32_0 = arith.constant 0 : i32
    return %c0_i32 : i32
  }
  func.func @transform_1(%arg0: i32, %arg1: i32) -> (i32, i32, i32) {
    %c0_i32 = arith.constant 0 : i32
    %c0_i32_0 = arith.constant 0 : i32
    %c0_i32_1 = arith.constant 0 : i32
    return %arg0, %c0_i32, %c0_i32_0 : i32, i32, i32
  }
  func.func @transform_2(%arg0: i32, %arg1: i32) -> (i32, i32, i32) {
    %c0_i32 = arith.constant 0 : i32
    %c0_i32_0 = arith.constant 0 : i32
    return %arg0, %c0_i32, %arg1 : i32, i32, i32
  }
  func.func @transform_3(%arg0: i32, %arg1: i32) -> (i32, i32, i32) {
    %c0_i32 = arith.constant 0 : i32
    %c0_i32_0 = arith.constant 0 : i32
    return %arg0, %c0_i32, %arg1 : i32, i32, i32
  }
  func.func @transform_4(%arg0: i32, %arg1: i32) -> (i32, i32, i32) {
    %c0_i32 = arith.constant 0 : i32
    %c0_i32_0 = arith.constant 0 : i32
    return %arg0, %arg1, %c0_i32 : i32, i32, i32
  }
  func.func @transform_5(%arg0: i32, %arg1: i32) -> (i32, i32, i32) {
    %c0_i32 = arith.constant 0 : i32
    %c0_i32_0 = arith.constant 0 : i32
    %c0_i32_1 = arith.constant 0 : i32
    return %arg0, %c0_i32, %c0_i32_0 : i32, i32, i32
  }
  func.func @transform_6(%arg0: i32, %arg1: i32) -> (i32, i32, i32) {
    %c0_i32 = arith.constant 0 : i32
    %c0_i32_0 = arith.constant 0 : i32
    %c0_i32_1 = arith.constant 0 : i32
    return %arg0, %c0_i32, %c0_i32_0 : i32, i32, i32
  }
  func.func @transform_7(%arg0: i32, %arg1: i32) -> (i32, i32, i32) {
    %c0_i32 = arith.constant 0 : i32
    %c0_i32_0 = arith.constant 0 : i32
    %c0_i32_1 = arith.constant 0 : i32
    %c0_i32_2 = arith.constant 0 : i32
    return %c0_i32, %c0_i32_0, %c0_i32_1 : i32, i32, i32
  }
}

</mosaic_0001>

<sc_bundles>
// kernel: kernel.10.cloned.1.call-start
scs
__scs_entry_jumppad:
0x0: {  	(pc) =	sbr.rel $0x88, $3  }
0x1: {  	(tag) =	ssettag $0x0;
	lr =	simm.s32 $0x1  }
0x2: {  	[smem:$0x3F9B] =	sst lr;
	_ =	strace $0xD0000000  }
0x3: {  	_ = 	snop  }
0x4: {  	_ = 	snop  }
0x5: {  	_ = 	snop  }
0x6: {  	_ = 	snop  }
0x7: {  	_ = 	snop  }
__scs_overlays_trampoline_lowered:
0x8: {  	[smem:$0x3FAA] =	sst s0  }
0x9: {  	[smem:$0x3FAB] =	sst s1  }
0xa: {  	[smem:$0x3FAC] =	sst s2  }
0xb: {  	[smem:$0x3FAD] =	sst s3  }
0xc: {  	[smem:$0x3FAE] =	sst s4  }
0xd: {  	[smem:$0x3FAF] =	sst s5  }
0xe: {  	[smem:$0x3FB0] =	sst s6  }
0xf: {  	[smem:$0x3FB1] =	sst s7  }
0x10: {  	[smem:$0x3FB2] =	sst s8  }
0x11: {  	[smem:$0x3FB3] =	sst s9;
	s0 =	simm.s32 @!p0 $0x0  }
0x12: {  	s1 =	sld [smem:$0x3F99];
	s0 =	simm.s32 @p0 $0x1  }
0x13: {  	[smem:$0x3FB4] =	sst s0;
	s0 =	simm.s32 @!p1 $0x0  }
0x14: {  	s2 =	sld [smem:$0x3F98];
	s0 =	simm.s32 @p1 $0x1  }
0x15: {  	[smem:$0x3FB5] =	sst s0;
	s0 =	simm.s32 @!p2 $0x0  }
0x16: {  	s3 =	sld [smem:$0x3FDB];
	s0 =	simm.s32 @p2 $0x1  }
0x17: {  	s4 =	simm.s32 $0x1BF5;
	[smem:$0x3FB7] =	sst s0  }
0x18: {  	s0 =	sld [smem:$0x3F9A];
	_ =	swait.ge [sflag:s4], $0x0  }
0x19: {  	s7 =	sld [smem:$0x3F9B]  }
0x1a: {  	s8 =	sadd.s32 $0xFFFFE003, lr  }
0x1b: {  	s9 =	sadd.s32 $0xFFFFFEF7, lr;
	s5 =	simm.s32 $0xFFFFFFFF;
	p2 =	slt.u32 s8, $0xFFFFF086  }
0x1c: {  	p1 =	slt.u32 s9, $0xF7A;
	s5 =	simm.s32 @!p2 $0x0  }
0x1d: {  	s5 =	simm.s32 @p1 $0x1;
	p0 =	seq.s32 s7, s2  }
0x1e: {  	s7 =	smul.u32 @!p0 $0xF7A, s2;
	p2 =	seq.s32 @!p0 s5, $0x0  }
0x1f: {  	s9 =	smul.u32 $0xF7A, s1;
	s8 =	simm.s32 @!p0 $0x1BF5;
	p2 =	por !p2, p0  }
0x20: {  	[sflag:s8] =	ssyncset.s32 @!p0 $0xFFFFF086;
	s6 =	sadd.s32 @!p0 s3, s7;
	s7 =	simm.s32 @!p0 $0x108  }
0x21: {  	s3 =	sadd.s32 s3, s9;
	s6 =	sadd.s32 @!p0 $0x88, s6;
	s7 =	simm.s32 @p2 $0x1082  }
0x22: {  	[simem:s7], [sflag:s8] =	dma.local @!p0 [hbm:s6], $0xF7A  }
0x23: {  	s9 =	sor.u32 $0xD0000000, s2;
	s6 =	simm.s32 $0x108;
	_ =	swait.ge @!p0 [sflag:s8], $0x0  }
0x24: {  	s3 =	sadd.s32 $0x88, s3;
	s6 =	simm.s32 @!p1 $0x1082;
	[sflag:s4] =	ssyncset.s32 $0xFFFFF086  }
0x25: {  	[simem:s6], [sflag:s4] =	dma.local [hbm:s3], $0xF7A  }
0x26: {  	[smem:$0x3F9B] =	sst s1;
	(tag) =	ssettag s2;
	_ =	strace s9  }
0x27: {  	s1 =	sld [smem:$0x3FAB]  }
0x28: {  	s2 =	sld [smem:$0x3FAC]  }
0x29: {  	s4 =	sld [smem:$0x3FAE]  }
0x2a: {  	p0 =	seq.s32 s5, $0x0;
	s5 =	sld [smem:$0x3FAF]  }
0x2b: {  	s6 =	sld [smem:$0x3FB0]  }
0x2c: {  	s7 =	sld [smem:$0x3FB1]  }
0x2d: {  	s3 =	simm.s32 $0x108;
	s8 =	sld [smem:$0x3FB2]  }
0x2e: {  	s3 =	simm.s32 @!p0 $0x1082;
	s9 =	sld [smem:$0x3FB3]  }
0x2f: {  	lr =	sadd.s32 s0, s3;
	s0 =	sld [smem:$0x3FAA]  }
0x30: {  	s3 =	sld [smem:$0x3FAD]  }
0x31: {  	[smem:$0x3FB6] =	sst s10  }
0x32: {  	s10 =	sld [smem:$0x3FB4];
	_ =	sdelay $0x3  }
0x33: {  	p0 =	seq.s32 s10, $0x1;
	s10 =	sld [smem:$0x3FB6];
	_ =	sdelay $0x3  }
0x34: {  	[smem:$0x3FB6] =	sst s10  }
0x35: {  	s10 =	sld [smem:$0x3FB5];
	_ =	sdelay $0x3  }
0x36: {  	p1 =	seq.s32 s10, $0x1;
	s10 =	sld [smem:$0x3FB6];
	_ =	sdelay $0x3  }
0x37: {  	[smem:$0x3FB6] =	sst s10  }
0x38: {  	s10 =	sld [smem:$0x3FB7]  }
0x39: {  	_ = 	snop;
	(pc) =	sbr.ind lr, $3  }
0x3a: {  	_ = 	snop  }
0x3b: {  	_ = 	snop  }
0x3c: {  	p2 =	seq.s32 s10, $0x1;
	s10 =	sld [smem:$0x3FB6]  }
0x3d: {  	_ =	shalt  }
0x3e: {  	_ =	shalt  }
0x3f: {  	_ =	shalt  }
0x40: {  	_ =	shalt  }
0x41: {  	_ =	shalt  }
0x42: {  	_ =	shalt  }
0x43: {  	_ =	shalt  }
0x44: {  	_ =	shalt  }
0x45: {  	_ =	shalt  }
0x46: {  	_ =	shalt  }
0x47: {  	_ =	shalt  }
0x48: {  	_ =	shalt  }
0x49: {  	_ =	shalt  }
0x4a: {  	_ =	shalt  }
0x4b: {  	_ =	shalt  }
0x4c: {  	_ =	shalt  }
0x4d: {  	_ =	shalt  }
0x4e: {  	_ =	shalt  }
0x4f: {  	_ =	shalt  }
0x50: {  	_ =	shalt  }
0x51: {  	_ =	shalt  }
0x52: {  	_ =	shalt  }
0x53: {  	_ =	shalt  }
0x54: {  	_ =	shalt  }
0x55: {  	_ =	shalt  }
0x56: {  	_ =	shalt  }
0x57: {  	_ =	shalt  }
0x58: {  	_ =	shalt  }
0x59: {  	_ =	shalt  }
0x5a: {  	_ =	shalt  }
0x5b: {  	_ =	shalt  }
0x5c: {  	_ =	shalt  }
0x5d: {  	_ =	shalt  }
0x5e: {  	_ =	shalt  }
0x5f: {  	_ =	shalt  }
0x60: {  	_ =	shalt  }
0x61: {  	_ =	shalt  }
0x62: {  	_ =	shalt  }
0x63: {  	_ =	shalt  }
0x64: {  	_ =	shalt  }
0x65: {  	_ =	shalt  }
0x66: {  	_ =	shalt  }
0x67: {  	_ =	shalt  }
0x68: {  	_ =	shalt  }
0x69: {  	_ =	shalt  }
0x6a: {  	_ =	shalt  }
0x6b: {  	_ =	shalt  }
0x6c: {  	_ =	shalt  }
0x6d: {  	_ =	shalt  }
0x6e: {  	_ =	shalt  }
0x6f: {  	_ =	shalt  }
0x70: {  	_ =	shalt  }
0x71: {  	_ =	shalt  }
0x72: {  	_ =	shalt  }
0x73: {  	_ =	shalt  }
0x74: {  	_ =	shalt  }
0x75: {  	_ =	shalt  }
0x76: {  	_ =	shalt  }
0x77: {  	_ =	shalt  }
0x78: {  	_ =	shalt  }
0x79: {  	_ =	shalt  }
0x7a: {  	_ =	shalt  }
0x7b: {  	_ =	shalt  }
0x7c: {  	_ =	shalt  }
0x7d: {  	_ =	shalt  }
0x7e: {  	_ =	shalt  }
0x7f: {  	_ =	shalt  }
0x80: {  	_ =	shalt  }
0x81: {  	_ =	shalt  }
0x82: {  	_ =	shalt  }
0x83: {  	_ =	shalt  }
0x84: {  	_ =	shalt  }
0x85: {  	_ =	shalt  }
0x86: {  	_ =	shalt  }
0x87: {  	_ =	shalt  }
.Lfunc_end0:
.L_simem_size_0:
called_computation.1_lowered:
.L_overlay_start_0:
0x88: {  	s2 =	sld [smem:$0x3FD9]  }
0x89: {  	s3 =	sld [smem:$0x3FFE];
	_ =	sdelay $0x1  }
0x8a: {  	s1 =	srdreg.scid  }
0x8b: {  	s0 =	sand.u32 $0x1, s1  }
0x8c: {  	s14 =	sshll.u32 s0, $0xA;
	s2 =	sadd.s32 s3, s2  }
0x8d: {  	s2 =	sadd.s32 s2, s14  }
0x8e: {  	[smem:$0x3FC2] =	sst s2  }
0x8f: {  	_ = 	snop  }
0x90: {  	s2 =	sld [smem:$0x3FD0];
	_ =	sdelay $0x2  }
0x91: {  	s4 =	simm.s32 $0xA;
	s5 =	simm.s32 $0x10;
	s15 =	sld [smem:$0x3FC9]  }
0x92: {  	[smem:s5], [sflag:s4] =	dma.local [hbm:s2], $0x1  }
0x93: {  	_ =	swait.eq [sflag:s4], $0x1  }
0x94: {  	[sflag:s4] =	ssyncset.done $0x0  }
0x95: {  	[sflag:s4] =	ssyncadd.s32 $0xFFFFFFFF  }
0x96: {  	s16 =	sld [smem:$0x10];
	(tm) =	ssettm $0x1  }
0x97: {  	s17 =	sld [smem:$0x3FFB];
	_ =	sdelay $0x3  }
0x98: {  	_ =	strace s17  }
0x99: {  	s4 =	sld [smem:$0x3FFC];
	_ =	sdelay $0x3  }
0x9a: {  	_ =	strace s4  }
0x9b: {  	s4 =	sld [smem:$0x3FFD];
	_ =	sdelay $0x3  }
0x9c: {  	_ =	strace s4  }
0x9d: {  	_ =	strace $0x8FFFFFFF  }
0x9e: {  	s18 =	sld [smem:$0x3FDB];
	_ =	sdelay $0x1  }
0x9f: {  	s19 =	simm.s32 $_scs_section_size  }
0xa0: {  	s6 =	simm.s32 $_size__tile_overlayer_lowered;
	s7 =	simm.s32 $_tile_overlayer_lowered  }
0xa1: {  	s22 =	simm.s32 $0x1BFF;
	s21 =	sshll.u32 s7, $0x1;
	s4 =	sadd.s32 s19, s18  }
0xa2: {  	s8 =	simm.s32 $0x0;
	s20 =	sshll.u32 s6, $0x1;
	s6 =	sadd.s32 s21, s4  }
0xa3: {  	[timem:s8], [sflag:s22] =	dma.local [hbm:s6], s20  }
0xa4: {  	_ =	swait.ge [sflag:s22], s20  }
0xa5: {  	s5 =	ssub.s32 $0x0, s20;
	[sflag:s22] =	ssyncset.done $0x0  }
0xa6: {  	[sflag:s22] =	ssyncadd.s32 s5;
	_ =	sdelay $0x1  }
0xa7: {  	s23 =	simm.s32 $0x1B8B  }
0xa8: {  	_ =	swait.ge [sflag:s23], $0x1  }
0xa9: {  	[sflag:s23] =	ssyncset.done $0x0  }
0xaa: {  	s25 =	simm.s32 $0x1B8E;
	s24 =	sld [smem:$0x3FFE];
	[sflag:s23] =	ssyncadd.s32 $0xFFFFFFFF  }
0xab: {  	s26 =	simm.s32 $execute0_lowered;
	[smem:$0x3FD2] =	sst s25  }
0xac: {  	s6 =	sshll.u32 s26, $0x1;
	_ =	strace $0x80000049;
	[dreg:$0x1] =	wrdreg $0xFFFFFFFF  }
0xad: {  	s28 =	simm.s32 $_size_execute0_lowered;
	s4 =	sadd.s32 s4, s6;
	[dreg:$0x0] =	wrdreg $0x0  }
0xae: {  	s6 =	sshll.u32 s28, $0x1;
	[dreg:$0x2] =	wrdreg s4  }
0xaf: {  	[dreg:$0x3] =	wrdreg s6  }
0xb0: {  	[dreg:$0x4] =	wrdreg $0xC0  }
0xb1: {  	_ =	task [dreg:s8], $0x5FFFF  }
0xb2: {  	[dreg:$0x1] =	wrdreg $0xFFFFFFFF  }
0xb3: {  	[dreg:$0x0] =	wrdreg $0x60  }
0xb4: {  	[dreg:$0x2] =	wrdreg s15  }
0xb5: {  	[dreg:$0x3] =	wrdreg s24  }
0xb6: {  	[dreg:$0x4] =	wrdreg s16  }
0xb7: {  	[dreg:$0x5] =	wrdreg $0x9  }
0xb8: {  	_ =	task.clear_ibuf [dreg:s8], $0x6FFFF;
	_ =	strace $0x90000049  }
0xb9: {  	s29 =	simm.s32 $0x9;
	_ =	strace $0x8000004B  }
0xba: {  	_ =	swait.ge [sflag:s29], $0x1  }
0xbb: {  	[sflag:s29] =	ssyncadd.s32 $0xFFFFFFFF  }
0xbc: {  	_ =	strace $0x9000004B  }
0xbd: {  	_ =	sfence  }
0xbe: {  	s30 =	sld [smem:$0x0];
	_ =	sdelay $0x2  }
0xbf: {  	s31 =	sshll.u32 s1, $0xD;
	s1 =	sshrl.u32 s1, $0x2  }
0xc0: {  	s3 =	sand.u32 $0x4000, s31;
	s1 =	sadd.s32 s1, s30  }
0xc1: {  	s0 =	sor.u32 s3, s0;
	s1 =	sshll.u32 s1, $0x11  }
0xc2: {  	s0 =	sor.u32 s1, s0  }
0xc3: {  	s0 =	sadd.s32 $0x8F2B, s0  }
0xc4: {  	[sflag:s0] =	ssyncadd.remote.s32 $0x1  }
0xc5: {  	_ =	sfence.sel $0xFFFF  }
0xc6: {  	[dreg:$0x0] =	wrdreg $0xFFFFFFFF;
	(pc) =	sbr.abs _section_cstart, $3  }
0xc7: {  	[dreg:$0x1] =	wrdreg $0xFFFFFFFF  }
0xc8: {  	_ =	task.clear_ibuf [dreg:s8], $0x2FFFF;
	_ =	strace $0x9FFFFFFF  }
0xc9: {  	(tm) =	ssettm $0x7FFFFFFF  }
tec
execute0_lowered:
.L_overlay_start_1:
0x0: {  	(tag) =	ssettag $0x1  }
0x1: {  	s1 =	rddreg [dreg:$0x0]  }
0x2: {  	s0 =	srdreg.scid;
	s2 =	rddreg [dreg:$0x1]  }
0x3: {  	s3 =	stileid.u32;
	s5 =	rddreg [dreg:$0x2];
	s0 =	sand.u32 $0x1, s0  }
0x4: {  	s9 =	simm.s32 $0x3;
	s3 =	sshll.u32 s3, $0x9;
	s4 =	sshll.u32 s0, $0x8  }
0x5: {  	s19 =	simm.s32 $0x100;
	s28 =	simm.s32 $0x8100;
	s4 =	sor.u32 s4, s3  }
0x6: {  	s3 =	simm.s32 $0x0;
	s6 =	sshrl.u32 s4, $0x3;
	s4 =	sshll.u32 s4, $0x7  }
0x7: {  	[smem:$0x7FF] =	sst s3;
	s2 =	sadd.s32 s6, s2;
	s21 =	sadd.s32 s5, s4  }
0x8: {  	_ =	strace $0x8000004A;
	s2 =	sadd.s32 $0x1800, s2;
	[dreg:$0xc] =	wrdreg s21  }
0x9: {  	s20 =	simm.s32 $0x2;
	s22 =	sadd.s32 $0x1000, s21;
	[dreg:$0x4] =	wrdreg s2  }
0xa: {  	s7 =	sadd.s32 $0x300, s1;
	s23 =	sadd.s32 $0x2000, s21;
	[dreg:$0x5] =	wrdreg s22  }
0xb: {  	s0 =	ssub.s32 $0x2, s0;
	s24 =	sadd.s32 $0x3000, s21;
	[dreg:$0x6] =	wrdreg s23  }
0xc: {  	s26 =	sshrl.u32 s0, $0x1;
	s25 =	sadd.s32 $0x4000, s21;
	[dreg:$0x7] =	wrdreg s24  }
0xd: {  	s0 =	ssub.s32 s0, s26;
	s29 =	sadd.s32 $0x5000, s21;
	[dreg:$0x8] =	wrdreg s25  }
0xe: {  	v2 =	vlaneseq.u32;
	s26 =	simm.s32 $0x1;
	s30 =	sadd.s32 $0x6000, s21;
	[dreg:$0x9] =	wrdreg s29  }
0xf: {  	vm0 =	vmmov $0xffff;
	v1 =	vshrl.u32 v2, $0x3;
	s5 =	sadd.s32 $0x100, s1;
	s31 =	sadd.s32 $0x7000, s21;
	[dreg:$0xa] =	wrdreg s30  }
0x10: {  	v0 =	vand.u32 $0x7, v2;
	v2 =	vor.u32 $0x8, v2;
	v1 =	vmul.u32 $0x8, v1;
	s6 =	sadd.s32 $0x200, s1;
	s8 =	smax.u32 s0, $0x1;
	[dreg:$0xb] =	wrdreg s31  }
.LBB2_1:
0x11: {  	s21 =	rddreg [dreg:$0x4]  }
0x12: {  	[tilespmem:s3], [sflag:$0x3] =	stream.linear.gather [hbm4b:s21+s3], $0x100, $0x38;
	[tilespmem:$0x10100] =	vst v63  }
0x13: {  	_ =	swait.ge [sflag:s9], $0x100  }
0x14: {  	[sflag:s9] =	ssyncset.done $0x0  }
0x15: {  	[sflag:s9] =	ssyncadd.s32 $0xFFFFFF00  }
0x16: {  	v3 =	vld [tilespmem:$0x0];
	_ =	sdelay $0x4  }
0x17: {  	v4 =	vshll.u32 v3, $0x3  }
0x18: {  	v3 =	vand.u32 $0x7, v3;
	v4 =	vand.u32 $0xFFFFFFC0, v4  }
0x19: {  	v3 =	vor.u32 v3, v4  }
0x1a: {  	v4 =	vperm.xlane v3, v0;
	_ =	sdelay $0x1  }
0x1b: {  	v4 =	vadd.s32 v1, v4;
	_ =	sdelay $0x4  }
0x1c: {  	[tilespmem:s19], [sflag:$0x1] =	stream.indirect_vreg.gather [hbm4b:s1+s3], $0x80, v4, vm0, $0xb8;
	[tilespmem:$0x10100] =	vst v63  }
0x1d: {  	s0 =	simm.s32 $0x900;
	v3 =	vperm.xlane v3, v2  }
0x1e: {  	[tilespmem:s0], [sflag:$0x1] =	stream.indirect_vreg.gather [hbm4b:s5+s3], $0x80, v4, vm0, $0xb8;
	[tilespmem:$0x10100] =	vst v63  }
0x1f: {  	s31 =	simm.s32 $0x1100;
	v3 =	vadd.s32 v1, v3  }
0x20: {  	[tilespmem:s31], [sflag:$0x1] =	stream.indirect_vreg.gather [hbm4b:s6+s3], $0x80, v4, vm0, $0xb8;
	[tilespmem:$0x10100] =	vst v63  }
0x21: {  	s2 =	simm.s32 $0x1900  }
0x22: {  	[tilespmem:s2], [sflag:$0x1] =	stream.indirect_vreg.gather [hbm4b:s7+s3], $0x80, v4, vm0, $0xb8;
	[tilespmem:$0x10100] =	vst v63  }
0x23: {  	s4 =	simm.s32 $0x2100  }
0x24: {  	[tilespmem:s4], [sflag:$0x1] =	stream.indirect_vreg.gather [hbm4b:s1+s3], $0x80, v3, vm0, $0xb8;
	[tilespmem:$0x10100] =	vst v63  }
0x25: {  	s10 =	simm.s32 $0x2900  }
0x26: {  	[tilespmem:s10], [sflag:$0x1] =	stream.indirect_vreg.gather [hbm4b:s5+s3], $0x80, v3, vm0, $0xb8;
	[tilespmem:$0x10100] =	vst v63  }
0x27: {  	s11 =	simm.s32 $0x3100  }
0x28: {  	[tilespmem:s11], [sflag:$0x1] =	stream.indirect_vreg.gather [hbm4b:s6+s3], $0x80, v3, vm0, $0xb8;
	[tilespmem:$0x10100] =	vst v63  }
0x29: {  	s12 =	simm.s32 $0x3900  }
0x2a: {  	[tilespmem:s12], [sflag:$0x1] =	stream.indirect_vreg.gather [hbm4b:s7+s3], $0x80, v3, vm0, $0xb8;
	[tilespmem:$0x10100] =	vst v63  }
0x2b: {  	v3 =	vld [tilespmem:$0x10];
	_ =	sdelay $0x4  }
0x2c: {  	v49 =	vshll.u32 v3, $0x3  }
0x2d: {  	v3 =	vand.u32 $0x7, v3;
	v4 =	vand.u32 $0xFFFFFFC0, v49  }
0x2e: {  	v3 =	vor.u32 v3, v4  }
0x2f: {  	v4 =	vperm.xlane v3, v0;
	_ =	sdelay $0x1  }
0x30: {  	v4 =	vadd.s32 v1, v4;
	_ =	sdelay $0x3  }
0x31: {  	s13 =	simm.s32 $0x4100  }
0x32: {  	[tilespmem:s13], [sflag:$0x1] =	stream.indirect_vreg.gather [hbm4b:s1+s3], $0x80, v4, vm0, $0xb8;
	[tilespmem:$0x10100] =	vst v63  }
0x33: {  	s14 =	simm.s32 $0x4900;
	v3 =	vperm.xlane v3, v2  }
0x34: {  	[tilespmem:s14], [sflag:$0x1] =	stream.indirect_vreg.gather [hbm4b:s5+s3], $0x80, v4, vm0, $0xb8;
	[tilespmem:$0x10100] =	vst v63  }
0x35: {  	s15 =	simm.s32 $0x5100;
	v3 =	vadd.s32 v1, v3  }
0x36: {  	[tilespmem:s15], [sflag:$0x1] =	stream.indirect_vreg.gather [hbm4b:s6+s3], $0x80, v4, vm0, $0xb8;
	[tilespmem:$0x10100] =	vst v63  }
0x37: {  	s18 =	simm.s32 $0x5900  }
0x38: {  	[tilespmem:s18], [sflag:$0x1] =	stream.indirect_vreg.gather [hbm4b:s7+s3], $0x80, v4, vm0, $0xb8;
	[tilespmem:$0x10100] =	vst v63  }
0x39: {  	s21 =	simm.s32 $0x6100  }
0x3a: {  	[tilespmem:s21], [sflag:$0x1] =	stream.indirect_vreg.gather [hbm4b:s1+s3], $0x80, v3, vm0, $0xb8;
	[tilespmem:$0x10100] =	vst v63  }
0x3b: {  	s2 =	simm.s32 $0x6900  }
0x3c: {  	[tilespmem:s2], [sflag:$0x1] =	stream.indirect_vreg.gather [hbm4b:s5+s3], $0x80, v3, vm0, $0xb8;
	[tilespmem:$0x10100] =	vst v63  }
0x3d: {  	s4 =	simm.s32 $0x7100  }
0x3e: {  	[tilespmem:s4], [sflag:$0x1] =	stream.indirect_vreg.gather [hbm4b:s6+s3], $0x80, v3, vm0, $0xb8;
	[tilespmem:$0x10100] =	vst v63  }
0x3f: {  	s10 =	simm.s32 $0x7900  }
0x40: {  	[tilespmem:s10], [sflag:$0x1] =	stream.indirect_vreg.gather [hbm4b:s7+s3], $0x80, v3, vm0, $0xb8;
	[tilespmem:$0x10100] =	vst v63  }
0x41: {  	_ =	swait.ge [sflag:s26], $0x8000  }
0x42: {  	[sflag:s26] =	ssyncset.done $0x0  }
0x43: {  	[sflag:s26] =	ssyncadd.s32 $0xFFFF8000  }
0x44: {  	v3 =	vld [tilespmem:$0x20];
	_ =	sdelay $0x4  }
0x45: {  	v50 =	vshll.u32 v3, $0x3  }
0x46: {  	v3 =	vand.u32 $0x7, v3;
	v4 =	vand.u32 $0xFFFFFFC0, v50  }
0x47: {  	v3 =	vor.u32 v3, v4  }
0x48: {  	v4 =	vperm.xlane v3, v0;
	_ =	sdelay $0x1  }
0x49: {  	v4 =	vadd.s32 v1, v4;
	_ =	sdelay $0x4  }
0x4a: {  	[tilespmem:s28], [sflag:$0x2] =	stream.indirect_vreg.gather [hbm4b:s1+s3], $0x80, v4, vm0, $0xb8;
	[tilespmem:$0x10100] =	vst v63  }
0x4b: {  	s15 =	simm.s32 $0x8900;
	v3 =	vperm.xlane v3, v2  }
0x4c: {  	[tilespmem:s15], [sflag:$0x2] =	stream.indirect_vreg.gather [hbm4b:s5+s3], $0x80, v4, vm0, $0xb8;
	[tilespmem:$0x10100] =	vst v63  }
0x4d: {  	s11 =	simm.s32 $0x9100;
	v3 =	vadd.s32 v1, v3  }
0x4e: {  	[tilespmem:s11], [sflag:$0x2] =	stream.indirect_vreg.gather [hbm4b:s6+s3], $0x80, v4, vm0, $0xb8;
	[tilespmem:$0x10100] =	vst v63  }
0x4f: {  	s12 =	simm.s32 $0x9900  }
0x50: {  	[tilespmem:s12], [sflag:$0x2] =	stream.indirect_vreg.gather [hbm4b:s7+s3], $0x80, v4, vm0, $0xb8;
	[tilespmem:$0x10100] =	vst v63  }
0x51: {  	s15 =	simm.s32 $0xA100  }
0x52: {  	[tilespmem:s15], [sflag:$0x2] =	stream.indirect_vreg.gather [hbm4b:s1+s3], $0x80, v3, vm0, $0xb8;
	[tilespmem:$0x10100] =	vst v63  }
0x53: {  	s18 =	simm.s32 $0xA900  }
0x54: {  	[tilespmem:s18], [sflag:$0x2] =	stream.indirect_vreg.gather [hbm4b:s5+s3], $0x80, v3, vm0, $0xb8;
	[tilespmem:$0x10100] =	vst v63  }
0x55: {  	s21 =	simm.s32 $0xB100  }
0x56: {  	[tilespmem:s21], [sflag:$0x2] =	stream.indirect_vreg.gather [hbm4b:s6+s3], $0x80, v3, vm0, $0xb8;
	[tilespmem:$0x10100] =	vst v63  }
0x57: {  	s11 =	simm.s32 $0xB900  }
0x58: {  	[tilespmem:s11], [sflag:$0x2] =	stream.indirect_vreg.gather [hbm4b:s7+s3], $0x80, v3, vm0, $0xb8;
	[tilespmem:$0x10100] =	vst v63  }
0x59: {  	v3 =	vld [tilespmem:$0x30];
	_ =	sdelay $0x4  }
0x5a: {  	v51 =	vshll.u32 v3, $0x3  }
0x5b: {  	v3 =	vand.u32 $0x7, v3;
	v4 =	vand.u32 $0xFFFFFFC0, v51  }
0x5c: {  	v3 =	vor.u32 v3, v4  }
0x5d: {  	v4 =	vperm.xlane v3, v0;
	_ =	sdelay $0x1  }
0x5e: {  	v4 =	vadd.s32 v1, v4;
	_ =	sdelay $0x3  }
0x5f: {  	s12 =	simm.s32 $0xC100  }
0x60: {  	[tilespmem:s12], [sflag:$0x2] =	stream.indirect_vreg.gather [hbm4b:s1+s3], $0x80, v4, vm0, $0xb8;
	[tilespmem:$0x10100] =	vst v63  }
0x61: {  	s18 =	simm.s32 $0xC900;
	v3 =	vperm.xlane v3, v2  }
0x62: {  	[tilespmem:s18], [sflag:$0x2] =	stream.indirect_vreg.gather [hbm4b:s5+s3], $0x80, v4, vm0, $0xb8;
	[tilespmem:$0x10100] =	vst v63  }
0x63: {  	s21 =	simm.s32 $0xD100;
	v3 =	vadd.s32 v1, v3  }
0x64: {  	[tilespmem:s21], [sflag:$0x2] =	stream.indirect_vreg.gather [hbm4b:s6+s3], $0x80, v4, vm0, $0xb8;
	[tilespmem:$0x10100] =	vst v63  }
0x65: {  	s18 =	simm.s32 $0xD900  }
0x66: {  	[tilespmem:s18], [sflag:$0x2] =	stream.indirect_vreg.gather [hbm4b:s7+s3], $0x80, v4, vm0, $0xb8;
	[tilespmem:$0x10100] =	vst v63  }
0x67: {  	s21 =	simm.s32 $0xE100  }
0x68: {  	[tilespmem:s21], [sflag:$0x2] =	stream.indirect_vreg.gather [hbm4b:s1+s3], $0x80, v3, vm0, $0xb8;
	[tilespmem:$0x10100] =	vst v63  }
0x69: {  	s18 =	simm.s32 $0xE900  }
0x6a: {  	[tilespmem:s18], [sflag:$0x2] =	stream.indirect_vreg.gather [hbm4b:s5+s3], $0x80, v3, vm0, $0xb8;
	[tilespmem:$0x10100] =	vst v63  }
0x6b: {  	s21 =	simm.s32 $0xF100  }
0x6c: {  	[tilespmem:s21], [sflag:$0x2] =	stream.indirect_vreg.gather [hbm4b:s6+s3], $0x80, v3, vm0, $0xb8;
	[tilespmem:$0x10100] =	vst v63  }
0x6d: {  	s15 =	simm.s32 $0xF900  }
0x6e: {  	[tilespmem:s15], [sflag:$0x2] =	stream.indirect_vreg.gather [hbm4b:s7+s3], $0x80, v3, vm0, $0xb8;
	[tilespmem:$0x10100] =	vst v63  }
0x6f: {  	s15 =	rddreg [dreg:$0xc]  }
0x70: {  	[hbm4b:s15+s3] =	stream.linear.scatter [tilespmem:s19], [sflag:$0x3], $0x8000, $0x38;
	[tilespmem:$0x10100] =	vst v63  }
0x71: {  	_ =	swait.ge [sflag:s9], $0x8000  }
0x72: {  	[sflag:s9] =	ssyncset.done $0x0  }
0x73: {  	[sflag:s9] =	ssyncadd.s32 $0xFFFF8000  }
0x74: {  	_ =	swait.ge [sflag:s20], $0x8000  }
0x75: {  	[sflag:s20] =	ssyncset.done $0x0  }
0x76: {  	[sflag:s20] =	ssyncadd.s32 $0xFFFF8000  }
0x77: {  	v3 =	vld [tilespmem:$0x40];
	_ =	sdelay $0x4  }
0x78: {  	v52 =	vshll.u32 v3, $0x3  }
0x79: {  	v3 =	vand.u32 $0x7, v3;
	v4 =	vand.u32 $0xFFFFFFC0, v52  }
0x7a: {  	v3 =	vor.u32 v3, v4  }
0x7b: {  	v4 =	vperm.xlane v3, v0;
	_ =	sdelay $0x1  }
0x7c: {  	v4 =	vadd.s32 v1, v4;
	_ =	sdelay $0x4  }
0x7d: {  	[tilespmem:s19], [sflag:$0x1] =	stream.indirect_vreg.gather [hbm4b:s1+s3], $0x80, v4, vm0, $0xb8;
	[tilespmem:$0x10100] =	vst v63  }
0x7e: {  	s22 =	simm.s32 $0x900;
	v3 =	vperm.xlane v3, v2  }
0x7f: {  	[tilespmem:s22], [sflag:$0x1] =	stream.indirect_vreg.gather [hbm4b:s5+s3], $0x80, v4, vm0, $0xb8;
	[tilespmem:$0x10100] =	vst v63  }
0x80: {  	s23 =	simm.s32 $0x1100;
	v3 =	vadd.s32 v1, v3  }
0x81: {  	[tilespmem:s23], [sflag:$0x1] =	stream.indirect_vreg.gather [hbm4b:s6+s3], $0x80, v4, vm0, $0xb8;
	[tilespmem:$0x10100] =	vst v63  }
0x82: {  	s24 =	simm.s32 $0x1900  }
0x83: {  	[tilespmem:s24], [sflag:$0x1] =	stream.indirect_vreg.gather [hbm4b:s7+s3], $0x80, v4, vm0, $0xb8;
	[tilespmem:$0x10100] =	vst v63  }
0x84: {  	s25 =	simm.s32 $0x2100  }
0x85: {  	[tilespmem:s25], [sflag:$0x1] =	stream.indirect_vreg.gather [hbm4b:s1+s3], $0x80, v3, vm0, $0xb8;
	[tilespmem:$0x10100] =	vst v63  }
0x86: {  	s29 =	simm.s32 $0x2900  }
0x87: {  	[tilespmem:s29], [sflag:$0x1] =	stream.indirect_vreg.gather [hbm4b:s5+s3], $0x80, v3, vm0, $0xb8;
	[tilespmem:$0x10100] =	vst v63  }
0x88: {  	s30 =	simm.s32 $0x3100  }
0x89: {  	[tilespmem:s30], [sflag:$0x1] =	stream.indirect_vreg.gather [hbm4b:s6+s3], $0x80, v3, vm0, $0xb8;
	[tilespmem:$0x10100] =	vst v63  }
0x8a: {  	s31 =	simm.s32 $0x3900  }
0x8b: {  	[tilespmem:s31], [sflag:$0x1] =	stream.indirect_vreg.gather [hbm4b:s7+s3], $0x80, v3, vm0, $0xb8;
	[tilespmem:$0x10100] =	vst v63  }
0x8c: {  	v3 =	vld [tilespmem:$0x50];
	_ =	sdelay $0x4  }
0x8d: {  	v53 =	vshll.u32 v3, $0x3  }
0x8e: {  	v3 =	vand.u32 $0x7, v3;
	v4 =	vand.u32 $0xFFFFFFC0, v53  }
0x8f: {  	v3 =	vor.u32 v3, v4  }
0x90: {  	v4 =	vperm.xlane v3, v0;
	_ =	sdelay $0x1  }
0x91: {  	v4 =	vadd.s32 v1, v4;
	_ =	sdelay $0x3  }
0x92: {  	s17 =	simm.s32 $0x4100  }
0x93: {  	[tilespmem:s17], [sflag:$0x1] =	stream.indirect_vreg.gather [hbm4b:s1+s3], $0x80, v4, vm0, $0xb8;
	[tilespmem:$0x10100] =	vst v63  }
0x94: {  	s16 =	simm.s32 $0x4900;
	v3 =	vperm.xlane v3, v2  }
0x95: {  	[tilespmem:s16], [sflag:$0x1] =	stream.indirect_vreg.gather [hbm4b:s5+s3], $0x80, v4, vm0, $0xb8;
	[tilespmem:$0x10100] =	vst v63  }
0x96: {  	s14 =	simm.s32 $0x5100;
	v3 =	vadd.s32 v1, v3  }
0x97: {  	[tilespmem:s14], [sflag:$0x1] =	stream.indirect_vreg.gather [hbm4b:s6+s3], $0x80, v4, vm0, $0xb8;
	[tilespmem:$0x10100] =	vst v63  }
0x98: {  	s14 =	simm.s32 $0x5900  }
0x99: {  	[tilespmem:s14], [sflag:$0x1] =	stream.indirect_vreg.gather [hbm4b:s7+s3], $0x80, v4, vm0, $0xb8;
	[tilespmem:$0x10100] =	vst v63  }
0x9a: {  	s15 =	simm.s32 $0x6100  }
0x9b: {  	[tilespmem:s15], [sflag:$0x1] =	stream.indirect_vreg.gather [hbm4b:s1+s3], $0x80, v3, vm0, $0xb8;
	[tilespmem:$0x10100] =	vst v63  }
0x9c: {  	s16 =	simm.s32 $0x6900  }
0x9d: {  	[tilespmem:s16], [sflag:$0x1] =	stream.indirect_vreg.gather [hbm4b:s5+s3], $0x80, v3, vm0, $0xb8;
	[tilespmem:$0x10100] =	vst v63  }
0x9e: {  	s17 =	simm.s32 $0x7100  }
0x9f: {  	[tilespmem:s17], [sflag:$0x1] =	stream.indirect_vreg.gather [hbm4b:s6+s3], $0x80, v3, vm0, $0xb8;
	[tilespmem:$0x10100] =	vst v63  }
0xa0: {  	s13 =	simm.s32 $0x7900  }
0xa1: {  	[tilespmem:s13], [sflag:$0x1] =	stream.indirect_vreg.gather [hbm4b:s7+s3], $0x80, v3, vm0, $0xb8;
	[tilespmem:$0x10100] =	vst v63  }
0xa2: {  	s31 =	rddreg [dreg:$0x5]  }
0xa3: {  	[hbm4b:s31+s3] =	stream.linear.scatter [tilespmem:s28], [sflag:$0x3], $0x8000, $0x38;
	[tilespmem:$0x10100] =	vst v63  }
0xa4: {  	_ =	swait.ge [sflag:s9], $0x8000  }
0xa5: {  	[sflag:s9] =	ssyncset.done $0x0  }
0xa6: {  	[sflag:s9] =	ssyncadd.s32 $0xFFFF8000  }
0xa7: {  	_ =	swait.ge [sflag:s26], $0x8000  }
0xa8: {  	[sflag:s26] =	ssyncset.done $0x0  }
0xa9: {  	[sflag:s26] =	ssyncadd.s32 $0xFFFF8000  }
0xaa: {  	v3 =	vld [tilespmem:$0x60];
	_ =	sdelay $0x4  }
0xab: {  	v54 =	vshll.u32 v3, $0x3  }
0xac: {  	v3 =	vand.u32 $0x7, v3;
	v4 =	vand.u32 $0xFFFFFFC0, v54  }
0xad: {  	v3 =	vor.u32 v3, v4  }
0xae: {  	v4 =	vperm.xlane v3, v0;
	_ =	sdelay $0x1  }
0xaf: {  	v4 =	vadd.s32 v1, v4;
	_ =	sdelay $0x4  }
0xb0: {  	[tilespmem:s28], [sflag:$0x2] =	stream.indirect_vreg.gather [hbm4b:s1+s3], $0x80, v4, vm0, $0xb8;
	[tilespmem:$0x10100] =	vst v63  }
0xb1: {  	s10 =	simm.s32 $0x8900;
	v3 =	vperm.xlane v3, v2  }
0xb2: {  	[tilespmem:s10], [sflag:$0x2] =	stream.indirect_vreg.gather [hbm4b:s5+s3], $0x80, v4, vm0, $0xb8;
	[tilespmem:$0x10100] =	vst v63  }
0xb3: {  	s2 =	simm.s32 $0x9100;
	v3 =	vadd.s32 v1, v3  }
0xb4: {  	[tilespmem:s2], [sflag:$0x2] =	stream.indirect_vreg.gather [hbm4b:s6+s3], $0x80, v4, vm0, $0xb8;
	[tilespmem:$0x10100] =	vst v63  }
0xb5: {  	s4 =	simm.s32 $0x9900  }
0xb6: {  	[tilespmem:s4], [sflag:$0x2] =	stream.indirect_vreg.gather [hbm4b:s7+s3], $0x80, v4, vm0, $0xb8;
	[tilespmem:$0x10100] =	vst v63  }
0xb7: {  	s0 =	simm.s32 $0xA100  }
0xb8: {  	[tilespmem:s0], [sflag:$0x2] =	stream.indirect_vreg.gather [hbm4b:s1+s3], $0x80, v3, vm0, $0xb8;
	[tilespmem:$0x10100] =	vst v63  }
0xb9: {  	s0 =	simm.s32 $0xA900  }
0xba: {  	[tilespmem:s0], [sflag:$0x2] =	stream.indirect_vreg.gather [hbm4b:s5+s3], $0x80, v3, vm0, $0xb8;
	[tilespmem:$0x10100] =	vst v63  }
0xbb: {  	s2 =	simm.s32 $0xB100  }
0xbc: {  	[tilespmem:s2], [sflag:$0x2] =	stream.indirect_vreg.gather [hbm4b:s6+s3], $0x80, v3, vm0, $0xb8;
	[tilespmem:$0x10100] =	vst v63  }
0xbd: {  	s11 =	simm.s32 $0xB900  }
0xbe: {  	[tilespmem:s11], [sflag:$0x2] =	stream.indirect_vreg.gather [hbm4b:s7+s3], $0x80, v3, vm0, $0xb8;
	[tilespmem:$0x10100] =	vst v63  }
0xbf: {  	v3 =	vld [tilespmem:$0x70];
	_ =	sdelay $0x4  }
0xc0: {  	v55 =	vshll.u32 v3, $0x3  }
0xc1: {  	v3 =	vand.u32 $0x7, v3;
	v4 =	vand.u32 $0xFFFFFFC0, v55  }
0xc2: {  	v3 =	vor.u32 v3, v4  }
0xc3: {  	v4 =	vperm.xlane v3, v0;
	_ =	sdelay $0x1  }
0xc4: {  	v4 =	vadd.s32 v1, v4;
	_ =	sdelay $0x3  }
0xc5: {  	s12 =	simm.s32 $0xC100  }
0xc6: {  	[tilespmem:s12], [sflag:$0x2] =	stream.indirect_vreg.gather [hbm4b:s1+s3], $0x80, v4, vm0, $0xb8;
	[tilespmem:$0x10100] =	vst v63  }
0xc7: {  	s13 =	simm.s32 $0xC900;
	v3 =	vperm.xlane v3, v2  }
0xc8: {  	[tilespmem:s13], [sflag:$0x2] =	stream.indirect_vreg.gather [hbm4b:s5+s3], $0x80, v4, vm0, $0xb8;
	[tilespmem:$0x10100] =	vst v63  }
0xc9: {  	s4 =	simm.s32 $0xD100;
	v3 =	vadd.s32 v1, v3  }
0xca: {  	[tilespmem:s4], [sflag:$0x2] =	stream.indirect_vreg.gather [hbm4b:s6+s3], $0x80, v4, vm0, $0xb8;
	[tilespmem:$0x10100] =	vst v63  }
0xcb: {  	s10 =	simm.s32 $0xD900  }
0xcc: {  	[tilespmem:s10], [sflag:$0x2] =	stream.indirect_vreg.gather [hbm4b:s7+s3], $0x80, v4, vm0, $0xb8;
	[tilespmem:$0x10100] =	vst v63  }
0xcd: {  	s11 =	simm.s32 $0xE100  }
0xce: {  	[tilespmem:s11], [sflag:$0x2] =	stream.indirect_vreg.gather [hbm4b:s1+s3], $0x80, v3, vm0, $0xb8;
	[tilespmem:$0x10100] =	vst v63  }
0xcf: {  	s12 =	simm.s32 $0xE900  }
0xd0: {  	[tilespmem:s12], [sflag:$0x2] =	stream.indirect_vreg.gather [hbm4b:s5+s3], $0x80, v3, vm0, $0xb8;
	[tilespmem:$0x10100] =	vst v63  }
0xd1: {  	s18 =	simm.s32 $0xF100  }
0xd2: {  	[tilespmem:s18], [sflag:$0x2] =	stream.indirect_vreg.gather [hbm4b:s6+s3], $0x80, v3, vm0, $0xb8;
	[tilespmem:$0x10100] =	vst v63  }
0xd3: {  	s23 =	simm.s32 $0xF900  }
0xd4: {  	[tilespmem:s23], [sflag:$0x2] =	stream.indirect_vreg.gather [hbm4b:s7+s3], $0x80, v3, vm0, $0xb8;
	[tilespmem:$0x10100] =	vst v63  }
0xd5: {  	s21 =	rddreg [dreg:$0x6]  }
0xd6: {  	[hbm4b:s21+s3] =	stream.linear.scatter [tilespmem:s19], [sflag:$0x3], $0x8000, $0x38;
	[tilespmem:$0x10100] =	vst v63  }
0xd7: {  	_ =	swait.ge [sflag:s9], $0x8000  }
0xd8: {  	[sflag:s9] =	ssyncset.done $0x0  }
0xd9: {  	[sflag:s9] =	ssyncadd.s32 $0xFFFF8000  }
0xda: {  	_ =	swait.ge [sflag:s20], $0x8000  }
0xdb: {  	[sflag:s20] =	ssyncset.done $0x0  }
0xdc: {  	[sflag:s20] =	ssyncadd.s32 $0xFFFF8000  }
0xdd: {  	v3 =	vld [tilespmem:$0x80];
	_ =	sdelay $0x4  }
0xde: {  	v56 =	vshll.u32 v3, $0x3  }
0xdf: {  	v3 =	vand.u32 $0x7, v3;
	v4 =	vand.u32 $0xFFFFFFC0, v56  }
0xe0: {  	v3 =	vor.u32 v3, v4  }
0xe1: {  	v4 =	vperm.xlane v3, v0;
	_ =	sdelay $0x1  }
0xe2: {  	v4 =	vadd.s32 v1, v4;
	_ =	sdelay $0x4  }
0xe3: {  	[tilespmem:s19], [sflag:$0x1] =	stream.indirect_vreg.gather [hbm4b:s1+s3], $0x80, v4, vm0, $0xb8;
	[tilespmem:$0x10100] =	vst v63  }
0xe4: {  	s21 =	simm.s32 $0x900;
	v3 =	vperm.xlane v3, v2  }
0xe5: {  	[tilespmem:s21], [sflag:$0x1] =	stream.indirect_vreg.gather [hbm4b:s5+s3], $0x80, v4, vm0, $0xb8;
	[tilespmem:$0x10100] =	vst v63  }
0xe6: {  	v3 =	vadd.s32 v1, v3;
	s21 =	simm.s32 $0x1100  }
0xe7: {  	[tilespmem:s21], [sflag:$0x1] =	stream.indirect_vreg.gather [hbm4b:s6+s3], $0x80, v4, vm0, $0xb8;
	[tilespmem:$0x10100] =	vst v63  }
0xe8: {  	s21 =	simm.s32 $0x1900  }
0xe9: {  	[tilespmem:s21], [sflag:$0x1] =	stream.indirect_vreg.gather [hbm4b:s7+s3], $0x80, v4, vm0, $0xb8;
	[tilespmem:$0x10100] =	vst v63  }
0xea: {  	s21 =	simm.s32 $0x2100  }
0xeb: {  	[tilespmem:s21], [sflag:$0x1] =	stream.indirect_vreg.gather [hbm4b:s1+s3], $0x80, v3, vm0, $0xb8;
	[tilespmem:$0x10100] =	vst v63  }
0xec: {  	s21 =	simm.s32 $0x2900  }
0xed: {  	[tilespmem:s21], [sflag:$0x1] =	stream.indirect_vreg.gather [hbm4b:s5+s3], $0x80, v3, vm0, $0xb8;
	[tilespmem:$0x10100] =	vst v63  }
0xee: {  	s21 =	simm.s32 $0x3100  }
0xef: {  	[tilespmem:s21], [sflag:$0x1] =	stream.indirect_vreg.gather [hbm4b:s6+s3], $0x80, v3, vm0, $0xb8;
	[tilespmem:$0x10100] =	vst v63  }
0xf0: {  	s21 =	simm.s32 $0x3900  }
0xf1: {  	[tilespmem:s21], [sflag:$0x1] =	stream.indirect_vreg.gather [hbm4b:s7+s3], $0x80, v3, vm0, $0xb8;
	[tilespmem:$0x10100] =	vst v63  }
0xf2: {  	v3 =	vld [tilespmem:$0x90];
	_ =	sdelay $0x4  }
0xf3: {  	v57 =	vshll.u32 v3, $0x3  }
0xf4: {  	v3 =	vand.u32 $0x7, v3;
	v4 =	vand.u32 $0xFFFFFFC0, v57  }
0xf5: {  	v3 =	vor.u32 v3, v4  }
0xf6: {  	v4 =	vperm.xlane v3, v0;
	_ =	sdelay $0x1  }
0xf7: {  	v4 =	vadd.s32 v1, v4;
	_ =	sdelay $0x3  }
0xf8: {  	s21 =	simm.s32 $0x4100  }
0xf9: {  	[tilespmem:s21], [sflag:$0x1] =	stream.indirect_vreg.gather [hbm4b:s1+s3], $0x80, v4, vm0, $0xb8;
	[tilespmem:$0x10100] =	vst v63  }
0xfa: {  	s22 =	simm.s32 $0x4900;
	v3 =	vperm.xlane v3, v2  }
0xfb: {  	[tilespmem:s22], [sflag:$0x1] =	stream.indirect_vreg.gather [hbm4b:s5+s3], $0x80, v4, vm0, $0xb8;
	[tilespmem:$0x10100] =	vst v63  }
0xfc: {  	v3 =	vadd.s32 v1, v3;
	s22 =	simm.s32 $0x5100  }
0xfd: {  	[tilespmem:s22], [sflag:$0x1] =	stream.indirect_vreg.gather [hbm4b:s6+s3], $0x80, v4, vm0, $0xb8;
	[tilespmem:$0x10100] =	vst v63  }
0xfe: {  	_ = 	snop  }
0xff: {  	[tilespmem:s14], [sflag:$0x1] =	stream.indirect_vreg.gather [hbm4b:s7+s3], $0x80, v4, vm0, $0xb8;
	[tilespmem:$0x10100] =	vst v63  }
0x100: {  	_ = 	snop  }
0x101: {  	[tilespmem:s15], [sflag:$0x1] =	stream.indirect_vreg.gather [hbm4b:s1+s3], $0x80, v3, vm0, $0xb8;
	[tilespmem:$0x10100] =	vst v63  }
0x102: {  	_ = 	snop  }
0x103: {  	[tilespmem:s16], [sflag:$0x1] =	stream.indirect_vreg.gather [hbm4b:s5+s3], $0x80, v3, vm0, $0xb8;
	[tilespmem:$0x10100] =	vst v63  }
0x104: {  	_ = 	snop  }
0x105: {  	[tilespmem:s17], [sflag:$0x1] =	stream.indirect_vreg.gather [hbm4b:s6+s3], $0x80, v3, vm0, $0xb8;
	[tilespmem:$0x10100] =	vst v63  }
0x106: {  	s18 =	simm.s32 $0x7900  }
0x107: {  	[tilespmem:s18], [sflag:$0x1] =	stream.indirect_vreg.gather [hbm4b:s7+s3], $0x80, v3, vm0, $0xb8;
	[tilespmem:$0x10100] =	vst v63  }
0x108: {  	s21 =	rddreg [dreg:$0x7]  }
0x109: {  	[hbm4b:s21+s3] =	stream.linear.scatter [tilespmem:s28], [sflag:$0x3], $0x8000, $0x38;
	[tilespmem:$0x10100] =	vst v63  }
0x10a: {  	_ =	swait.ge [sflag:s9], $0x8000  }
0x10b: {  	[sflag:s9] =	ssyncset.done $0x0  }
0x10c: {  	[sflag:s9] =	ssyncadd.s32 $0xFFFF8000  }
0x10d: {  	_ =	swait.ge [sflag:s26], $0x8000  }
0x10e: {  	[sflag:s26] =	ssyncset.done $0x0  }
0x10f: {  	[sflag:s26] =	ssyncadd.s32 $0xFFFF8000  }
0x110: {  	v3 =	vld [tilespmem:$0xA0];
	_ =	sdelay $0x4  }
0x111: {  	v58 =	vshll.u32 v3, $0x3  }
0x112: {  	v3 =	vand.u32 $0x7, v3;
	v4 =	vand.u32 $0xFFFFFFC0, v58  }
0x113: {  	v3 =	vor.u32 v3, v4  }
0x114: {  	v4 =	vperm.xlane v3, v0;
	_ =	sdelay $0x1  }
0x115: {  	v4 =	vadd.s32 v1, v4;
	_ =	sdelay $0x4  }
0x116: {  	[tilespmem:s28], [sflag:$0x2] =	stream.indirect_vreg.gather [hbm4b:s1+s3], $0x80, v4, vm0, $0xb8;
	[tilespmem:$0x10100] =	vst v63  }
0x117: {  	s30 =	simm.s32 $0x8900;
	v3 =	vperm.xlane v3, v2  }
0x118: {  	[tilespmem:s30], [sflag:$0x2] =	stream.indirect_vreg.gather [hbm4b:s5+s3], $0x80, v4, vm0, $0xb8;
	[tilespmem:$0x10100] =	vst v63  }
0x119: {  	s25 =	simm.s32 $0x9100;
	v3 =	vadd.s32 v1, v3  }
0x11a: {  	[tilespmem:s25], [sflag:$0x2] =	stream.indirect_vreg.gather [hbm4b:s6+s3], $0x80, v4, vm0, $0xb8;
	[tilespmem:$0x10100] =	vst v63  }
0x11b: {  	s29 =	simm.s32 $0x9900  }
0x11c: {  	[tilespmem:s29], [sflag:$0x2] =	stream.indirect_vreg.gather [hbm4b:s7+s3], $0x80, v4, vm0, $0xb8;
	[tilespmem:$0x10100] =	vst v63  }
0x11d: {  	s29 =	simm.s32 $0xA100  }
0x11e: {  	[tilespmem:s29], [sflag:$0x2] =	stream.indirect_vreg.gather [hbm4b:s1+s3], $0x80, v3, vm0, $0xb8;
	[tilespmem:$0x10100] =	vst v63  }
0x11f: {  	_ = 	snop  }
0x120: {  	[tilespmem:s0], [sflag:$0x2] =	stream.indirect_vreg.gather [hbm4b:s5+s3], $0x80, v3, vm0, $0xb8;
	[tilespmem:$0x10100] =	vst v63  }
0x121: {  	_ = 	snop  }
0x122: {  	[tilespmem:s2], [sflag:$0x2] =	stream.indirect_vreg.gather [hbm4b:s6+s3], $0x80, v3, vm0, $0xb8;
	[tilespmem:$0x10100] =	vst v63  }
0x123: {  	s31 =	simm.s32 $0xB900  }
0x124: {  	[tilespmem:s31], [sflag:$0x2] =	stream.indirect_vreg.gather [hbm4b:s7+s3], $0x80, v3, vm0, $0xb8;
	[tilespmem:$0x10100] =	vst v63  }
0x125: {  	v3 =	vld [tilespmem:$0xB0];
	_ =	sdelay $0x4  }
0x126: {  	v59 =	vshll.u32 v3, $0x3  }
0x127: {  	v3 =	vand.u32 $0x7, v3;
	v4 =	vand.u32 $0xFFFFFFC0, v59  }
0x128: {  	v3 =	vor.u32 v3, v4  }
0x129: {  	v4 =	vperm.xlane v3, v0;
	_ =	sdelay $0x1  }
0x12a: {  	v4 =	vadd.s32 v1, v4;
	_ =	sdelay $0x3  }
0x12b: {  	s31 =	simm.s32 $0xC100  }
0x12c: {  	[tilespmem:s31], [sflag:$0x2] =	stream.indirect_vreg.gather [hbm4b:s1+s3], $0x80, v4, vm0, $0xb8;
	[tilespmem:$0x10100] =	vst v63  }
0x12d: {  	v3 =	vperm.xlane v3, v2  }
0x12e: {  	[tilespmem:s13], [sflag:$0x2] =	stream.indirect_vreg.gather [hbm4b:s5+s3], $0x80, v4, vm0, $0xb8;
	[tilespmem:$0x10100] =	vst v63  }
0x12f: {  	v3 =	vadd.s32 v1, v3  }
0x130: {  	[tilespmem:s4], [sflag:$0x2] =	stream.indirect_vreg.gather [hbm4b:s6+s3], $0x80, v4, vm0, $0xb8;
	[tilespmem:$0x10100] =	vst v63  }
0x131: {  	_ = 	snop  }
0x132: {  	[tilespmem:s10], [sflag:$0x2] =	stream.indirect_vreg.gather [hbm4b:s7+s3], $0x80, v4, vm0, $0xb8;
	[tilespmem:$0x10100] =	vst v63  }
0x133: {  	_ = 	snop  }
0x134: {  	[tilespmem:s11], [sflag:$0x2] =	stream.indirect_vreg.gather [hbm4b:s1+s3], $0x80, v3, vm0, $0xb8;
	[tilespmem:$0x10100] =	vst v63  }
0x135: {  	_ = 	snop  }
0x136: {  	[tilespmem:s12], [sflag:$0x2] =	stream.indirect_vreg.gather [hbm4b:s5+s3], $0x80, v3, vm0, $0xb8;
	[tilespmem:$0x10100] =	vst v63  }
0x137: {  	s24 =	simm.s32 $0xF100  }
0x138: {  	[tilespmem:s24], [sflag:$0x2] =	stream.indirect_vreg.gather [hbm4b:s6+s3], $0x80, v3, vm0, $0xb8;
	[tilespmem:$0x10100] =	vst v63  }
0x139: {  	s23 =	simm.s32 $0xF900  }
0x13a: {  	[tilespmem:s23], [sflag:$0x2] =	stream.indirect_vreg.gather [hbm4b:s7+s3], $0x80, v3, vm0, $0xb8;
	[tilespmem:$0x10100] =	vst v63  }
0x13b: {  	s21 =	rddreg [dreg:$0x8]  }
0x13c: {  	[hbm4b:s21+s3] =	stream.linear.scatter [tilespmem:s19], [sflag:$0x3], $0x8000, $0x38;
	[tilespmem:$0x10100] =	vst v63  }
0x13d: {  	_ =	swait.ge [sflag:s9], $0x8000  }
0x13e: {  	[sflag:s9] =	ssyncset.done $0x0  }
0x13f: {  	[sflag:s9] =	ssyncadd.s32 $0xFFFF8000  }
0x140: {  	_ =	swait.ge [sflag:s20], $0x8000  }
0x141: {  	[sflag:s20] =	ssyncset.done $0x0  }
0x142: {  	[sflag:s20] =	ssyncadd.s32 $0xFFFF8000  }
0x143: {  	v3 =	vld [tilespmem:$0xC0];
	_ =	sdelay $0x4  }
0x144: {  	v60 =	vshll.u32 v3, $0x3  }
0x145: {  	v3 =	vand.u32 $0x7, v3;
	v4 =	vand.u32 $0xFFFFFFC0, v60  }
0x146: {  	v3 =	vor.u32 v3, v4  }
0x147: {  	v4 =	vperm.xlane v3, v0;
	_ =	sdelay $0x1  }
0x148: {  	v4 =	vadd.s32 v1, v4;
	_ =	sdelay $0x4  }
0x149: {  	[tilespmem:s19], [sflag:$0x1] =	stream.indirect_vreg.gather [hbm4b:s1+s3], $0x80, v4, vm0, $0xb8;
	[tilespmem:$0x10100] =	vst v63  }
0x14a: {  	s21 =	simm.s32 $0x900;
	v3 =	vperm.xlane v3, v2  }
0x14b: {  	[tilespmem:s21], [sflag:$0x1] =	stream.indirect_vreg.gather [hbm4b:s5+s3], $0x80, v4, vm0, $0xb8;
	[tilespmem:$0x10100] =	vst v63  }
0x14c: {  	v3 =	vadd.s32 v1, v3;
	s21 =	simm.s32 $0x1100  }
0x14d: {  	[tilespmem:s21], [sflag:$0x1] =	stream.indirect_vreg.gather [hbm4b:s6+s3], $0x80, v4, vm0, $0xb8;
	[tilespmem:$0x10100] =	vst v63  }
0x14e: {  	s21 =	simm.s32 $0x1900  }
0x14f: {  	[tilespmem:s21], [sflag:$0x1] =	stream.indirect_vreg.gather [hbm4b:s7+s3], $0x80, v4, vm0, $0xb8;
	[tilespmem:$0x10100] =	vst v63  }
0x150: {  	s21 =	simm.s32 $0x2100  }
0x151: {  	[tilespmem:s21], [sflag:$0x1] =	stream.indirect_vreg.gather [hbm4b:s1+s3], $0x80, v3, vm0, $0xb8;
	[tilespmem:$0x10100] =	vst v63  }
0x152: {  	s21 =	simm.s32 $0x2900  }
0x153: {  	[tilespmem:s21], [sflag:$0x1] =	stream.indirect_vreg.gather [hbm4b:s5+s3], $0x80, v3, vm0, $0xb8;
	[tilespmem:$0x10100] =	vst v63  }
0x154: {  	s21 =	simm.s32 $0x3100  }
0x155: {  	[tilespmem:s21], [sflag:$0x1] =	stream.indirect_vreg.gather [hbm4b:s6+s3], $0x80, v3, vm0, $0xb8;
	[tilespmem:$0x10100] =	vst v63  }
0x156: {  	s21 =	simm.s32 $0x3900  }
0x157: {  	[tilespmem:s21], [sflag:$0x1] =	stream.indirect_vreg.gather [hbm4b:s7+s3], $0x80, v3, vm0, $0xb8;
	[tilespmem:$0x10100] =	vst v63  }
0x158: {  	v3 =	vld [tilespmem:$0xD0];
	_ =	sdelay $0x4  }
0x159: {  	v61 =	vshll.u32 v3, $0x3  }
0x15a: {  	v3 =	vand.u32 $0x7, v3;
	v4 =	vand.u32 $0xFFFFFFC0, v61  }
0x15b: {  	v3 =	vor.u32 v3, v4  }
0x15c: {  	v4 =	vperm.xlane v3, v0;
	_ =	sdelay $0x1  }
0x15d: {  	v4 =	vadd.s32 v1, v4;
	_ =	sdelay $0x3  }
0x15e: {  	s21 =	simm.s32 $0x4100  }
0x15f: {  	[tilespmem:s21], [sflag:$0x1] =	stream.indirect_vreg.gather [hbm4b:s1+s3], $0x80, v4, vm0, $0xb8;
	[tilespmem:$0x10100] =	vst v63  }
0x160: {  	v3 =	vperm.xlane v3, v2;
	s21 =	simm.s32 $0x4900  }
0x161: {  	[tilespmem:s21], [sflag:$0x1] =	stream.indirect_vreg.gather [hbm4b:s5+s3], $0x80, v4, vm0, $0xb8;
	[tilespmem:$0x10100] =	vst v63  }
0x162: {  	s22 =	simm.s32 $0x5100;
	v3 =	vadd.s32 v1, v3  }
0x163: {  	[tilespmem:s22], [sflag:$0x1] =	stream.indirect_vreg.gather [hbm4b:s6+s3], $0x80, v4, vm0, $0xb8;
	[tilespmem:$0x10100] =	vst v63  }
0x164: {  	s14 =	simm.s32 $0x5900  }
0x165: {  	[tilespmem:s14], [sflag:$0x1] =	stream.indirect_vreg.gather [hbm4b:s7+s3], $0x80, v4, vm0, $0xb8;
	[tilespmem:$0x10100] =	vst v63  }
0x166: {  	s15 =	simm.s32 $0x6100  }
0x167: {  	[tilespmem:s15], [sflag:$0x1] =	stream.indirect_vreg.gather [hbm4b:s1+s3], $0x80, v3, vm0, $0xb8;
	[tilespmem:$0x10100] =	vst v63  }
0x168: {  	s16 =	simm.s32 $0x6900  }
0x169: {  	[tilespmem:s16], [sflag:$0x1] =	stream.indirect_vreg.gather [hbm4b:s5+s3], $0x80, v3, vm0, $0xb8;
	[tilespmem:$0x10100] =	vst v63  }
0x16a: {  	s17 =	simm.s32 $0x7100  }
0x16b: {  	[tilespmem:s17], [sflag:$0x1] =	stream.indirect_vreg.gather [hbm4b:s6+s3], $0x80, v3, vm0, $0xb8;
	[tilespmem:$0x10100] =	vst v63  }
0x16c: {  	s22 =	simm.s32 $0x7900  }
0x16d: {  	[tilespmem:s22], [sflag:$0x1] =	stream.indirect_vreg.gather [hbm4b:s7+s3], $0x80, v3, vm0, $0xb8;
	[tilespmem:$0x10100] =	vst v63  }
0x16e: {  	s17 =	rddreg [dreg:$0x9]  }
0x16f: {  	[hbm4b:s17+s3] =	stream.linear.scatter [tilespmem:s28], [sflag:$0x3], $0x8000, $0x38;
	[tilespmem:$0x10100] =	vst v63  }
0x170: {  	_ =	swait.ge [sflag:s9], $0x8000  }
0x171: {  	[sflag:s9] =	ssyncset.done $0x0  }
0x172: {  	[sflag:s9] =	ssyncadd.s32 $0xFFFF8000  }
0x173: {  	_ =	swait.ge [sflag:s26], $0x8000  }
0x174: {  	[sflag:s26] =	ssyncset.done $0x0  }
0x175: {  	[sflag:s26] =	ssyncadd.s32 $0xFFFF8000  }
0x176: {  	v3 =	vld [tilespmem:$0xE0];
	_ =	sdelay $0x4  }
0x177: {  	v62 =	vshll.u32 v3, $0x3  }
0x178: {  	v3 =	vand.u32 $0x7, v3;
	v4 =	vand.u32 $0xFFFFFFC0, v62  }
0x179: {  	v3 =	vor.u32 v3, v4  }
0x17a: {  	v4 =	vperm.xlane v3, v0;
	_ =	sdelay $0x1  }
0x17b: {  	v4 =	vadd.s32 v1, v4;
	_ =	sdelay $0x4  }
0x17c: {  	[tilespmem:s28], [sflag:$0x2] =	stream.indirect_vreg.gather [hbm4b:s1+s3], $0x80, v4, vm0, $0xb8;
	[tilespmem:$0x10100] =	vst v63  }
0x17d: {  	s30 =	simm.s32 $0x8900;
	v3 =	vperm.xlane v3, v2  }
0x17e: {  	[tilespmem:s30], [sflag:$0x2] =	stream.indirect_vreg.gather [hbm4b:s5+s3], $0x80, v4, vm0, $0xb8;
	[tilespmem:$0x10100] =	vst v63  }
0x17f: {  	s25 =	simm.s32 $0x9100;
	v3 =	vadd.s32 v1, v3  }
0x180: {  	[tilespmem:s25], [sflag:$0x2] =	stream.indirect_vreg.gather [hbm4b:s6+s3], $0x80, v4, vm0, $0xb8;
	[tilespmem:$0x10100] =	vst v63  }
0x181: {  	s25 =	simm.s32 $0x9900  }
0x182: {  	[tilespmem:s25], [sflag:$0x2] =	stream.indirect_vreg.gather [hbm4b:s7+s3], $0x80, v4, vm0, $0xb8;
	[tilespmem:$0x10100] =	vst v63  }
0x183: {  	s18 =	simm.s32 $0xA100  }
0x184: {  	[tilespmem:s18], [sflag:$0x2] =	stream.indirect_vreg.gather [hbm4b:s1+s3], $0x80, v3, vm0, $0xb8;
	[tilespmem:$0x10100] =	vst v63  }
0x185: {  	s0 =	simm.s32 $0xA900  }
0x186: {  	[tilespmem:s0], [sflag:$0x2] =	stream.indirect_vreg.gather [hbm4b:s5+s3], $0x80, v3, vm0, $0xb8;
	[tilespmem:$0x10100] =	vst v63  }
0x187: {  	s2 =	simm.s32 $0xB100  }
0x188: {  	[tilespmem:s2], [sflag:$0x2] =	stream.indirect_vreg.gather [hbm4b:s6+s3], $0x80, v3, vm0, $0xb8;
	[tilespmem:$0x10100] =	vst v63  }
0x189: {  	s29 =	simm.s32 $0xB900  }
0x18a: {  	[tilespmem:s29], [sflag:$0x2] =	stream.indirect_vreg.gather [hbm4b:s7+s3], $0x80, v3, vm0, $0xb8;
	[tilespmem:$0x10100] =	vst v63  }
0x18b: {  	v3 =	vld [tilespmem:$0xF0];
	_ =	sdelay $0x4  }
0x18c: {  	v63 =	vshll.u32 v3, $0x3  }
0x18d: {  	v3 =	vand.u32 $0x7, v3;
	v4 =	vand.u32 $0xFFFFFFC0, v63  }
0x18e: {  	v3 =	vor.u32 v3, v4  }
0x18f: {  	v4 =	vperm.xlane v3, v0;
	_ =	sdelay $0x1  }
0x190: {  	v4 =	vadd.s32 v1, v4;
	_ =	sdelay $0x3  }
0x191: {  	s31 =	simm.s32 $0xC100  }
0x192: {  	[tilespmem:s31], [sflag:$0x2] =	stream.indirect_vreg.gather [hbm4b:s1+s3], $0x80, v4, vm0, $0xb8;
	[tilespmem:$0x10100] =	vst v63  }
0x193: {  	s13 =	simm.s32 $0xC900;
	v3 =	vperm.xlane v3, v2  }
0x194: {  	[tilespmem:s13], [sflag:$0x2] =	stream.indirect_vreg.gather [hbm4b:s5+s3], $0x80, v4, vm0, $0xb8;
	[tilespmem:$0x10100] =	vst v63  }
0x195: {  	s4 =	simm.s32 $0xD100;
	v3 =	vadd.s32 v1, v3  }
0x196: {  	[tilespmem:s4], [sflag:$0x2] =	stream.indirect_vreg.gather [hbm4b:s6+s3], $0x80, v4, vm0, $0xb8;
	[tilespmem:$0x10100] =	vst v63  }
0x197: {  	s10 =	simm.s32 $0xD900  }
0x198: {  	[tilespmem:s10], [sflag:$0x2] =	stream.indirect_vreg.gather [hbm4b:s7+s3], $0x80, v4, vm0, $0xb8;
	[tilespmem:$0x10100] =	vst v63  }
0x199: {  	s11 =	simm.s32 $0xE100  }
0x19a: {  	[tilespmem:s11], [sflag:$0x2] =	stream.indirect_vreg.gather [hbm4b:s1+s3], $0x80, v3, vm0, $0xb8;
	[tilespmem:$0x10100] =	vst v63  }
0x19b: {  	s12 =	simm.s32 $0xE900  }
0x19c: {  	[tilespmem:s12], [sflag:$0x2] =	stream.indirect_vreg.gather [hbm4b:s5+s3], $0x80, v3, vm0, $0xb8;
	[tilespmem:$0x10100] =	vst v63  }
0x19d: {  	s24 =	simm.s32 $0xF100  }
0x19e: {  	[tilespmem:s24], [sflag:$0x2] =	stream.indirect_vreg.gather [hbm4b:s6+s3], $0x80, v3, vm0, $0xb8;
	[tilespmem:$0x10100] =	vst v63  }
0x19f: {  	s23 =	simm.s32 $0xF900  }
0x1a0: {  	[tilespmem:s23], [sflag:$0x2] =	stream.indirect_vreg.gather [hbm4b:s7+s3], $0x80, v3, vm0, $0xb8;
	[tilespmem:$0x10100] =	vst v63  }
0x1a1: {  	s30 =	rddreg [dreg:$0xa]  }
0x1a2: {  	[hbm4b:s30+s3] =	stream.linear.scatter [tilespmem:s19], [sflag:$0x3], $0x8000, $0x38;
	[tilespmem:$0x10100] =	vst v63  }
0x1a3: {  	_ =	swait.ge [sflag:s9], $0x8000  }
0x1a4: {  	[sflag:s9] =	ssyncset.done $0x0  }
0x1a5: {  	[sflag:s9] =	ssyncadd.s32 $0xFFFF8000  }
0x1a6: {  	_ =	swait.ge [sflag:s20], $0x8000  }
0x1a7: {  	p0 =	sne.s32 s8, $0x1;
	[sflag:s20] =	ssyncset.done $0x0  }
.Ltmp0:
0x1a8: {  	s31 =	rddreg [dreg:$0xb];
	[sflag:s20] =	ssyncadd.s32 $0xFFFF8000;
	(pc) =	sbr.rel @p0 .LBB2_1-.Ltmp0, $4  }
0x1a9: {  	[hbm4b:s31+s3] =	stream.linear.scatter [tilespmem:s28], [sflag:$0x3], $0x8000, $0x38;
	[tilespmem:$0x10100] =	vst v63  }
0x1aa: {  	_ =	swait.ge [sflag:s9], $0x8000  }
0x1ab: {  	[sflag:s9] =	ssyncset.done $0x0  }
0x1ac: {  	s8 =	sadd.s32 $0xFFFFFFFF, s8;
	[sflag:s9] =	ssyncadd.s32 $0xFFFF8000  }
0x1ad: {  	_ =	sfence.sel $0x180000  }
0x1ae: {  	[bflag:$0x0] =	sbarrier.arrive $0xFFFF  }
0x1af: {  	_ =	strace $0x9000004A  }
0x1b0: {  	s0 =	stileid.u32;
	[bflag:$0x2] =	sbarrier.arrive $0xFFFF  }
0x1b1: {  	p0 =	sne.s32 s0, $0x0;
	s0 =	rddreg [dreg:$0x3]  }
0x1b2: {  	s0 =	sadd.s32 @!p0 $0x100000, s0  }
0x1b3: {  	[sflag:s0] =	ssyncadd.tile.s32 @!p0 $0x1;
	_ =	shalt  }
.Lfunc_end2:
_tile_overlayer_lowered:
.L_overlay_start_2:
0x1b4: {  	(tag) =	ssettag $0x2  }
0x1b5: {  	s0 =	rddreg [dreg:$0x0];
	s2 =	stileid.u32  }
0x1b6: {  	s1 =	rddreg [dreg:$0x1];
	p0 =	sne.s32 s2, $0x0  }
0x1b7: {  	s3 =	rddreg [dreg:$0x2];
	[bflag:$0x3] =	sbarrier.arrive $0xFFFF;
	s2 =	simm.s32 @!p0 $0x1C03  }
0x1b8: {  	[timem:s3], [sflag:s2] =	dma.local @!p0 [hbm:s0], s1  }
0x1b9: {  	s0 =	simm.s32 @!p0 $0x3  }
0x1ba: {  	_ =	swait.ge @!p0 [sflag:s0], s1  }
0x1bb: {  	s1 =	ssub.s32 @!p0 $0x0, s1;
	[sflag:s0] =	ssyncset.done @!p0 $0x0  }
0x1bc: {  	[sflag:s0] =	ssyncadd.s32 @!p0 s1  }
0x1bd: {  	[bflag:$0x3] =	sbarrier.arrive $0xFFFF  }
0x1be: {  	_ =	shalt  }

// kernel: kernel.7.cloned.1.call-start
scs
__scs_entry_jumppad:
0x0: {  	(pc) =	sbr.rel $0x88, $3  }
0x1: {  	(tag) =	ssettag $0x0;
	lr =	simm.s32 $0x1  }
0x2: {  	[smem:$0x3F9B] =	sst lr;
	_ =	strace $0xD0000000  }
0x3: {  	_ = 	snop  }
0x4: {  	_ = 	snop  }
0x5: {  	_ = 	snop  }
0x6: {  	_ = 	snop  }
0x7: {  	_ = 	snop  }
__scs_overlays_trampoline_lowered:
0x8: {  	[smem:$0x3FAA] =	sst s0  }
0x9: {  	[smem:$0x3FAB] =	sst s1  }
0xa: {  	[smem:$0x3FAC] =	sst s2  }
0xb: {  	[smem:$0x3FAD] =	sst s3  }
0xc: {  	[smem:$0x3FAE] =	sst s4  }
0xd: {  	[smem:$0x3FAF] =	sst s5  }
0xe: {  	[smem:$0x3FB0] =	sst s6  }
0xf: {  	[smem:$0x3FB1] =	sst s7  }
0x10: {  	[smem:$0x3FB2] =	sst s8  }
0x11: {  	[smem:$0x3FB3] =	sst s9;
	s0 =	simm.s32 @!p0 $0x0  }
0x12: {  	s1 =	sld [smem:$0x3F99];
	s0 =	simm.s32 @p0 $0x1  }
0x13: {  	[smem:$0x3FB4] =	sst s0;
	s0 =	simm.s32 @!p1 $0x0  }
0x14: {  	s2 =	sld [smem:$0x3F98];
	s0 =	simm.s32 @p1 $0x1  }
0x15: {  	[smem:$0x3FB5] =	sst s0;
	s0 =	simm.s32 @!p2 $0x0  }
0x16: {  	s3 =	sld [smem:$0x3FDB];
	s0 =	simm.s32 @p2 $0x1  }
0x17: {  	s4 =	simm.s32 $0x1BF5;
	[smem:$0x3FB7] =	sst s0  }
0x18: {  	s0 =	sld [smem:$0x3F9A];
	_ =	swait.ge [sflag:s4], $0x0  }
0x19: {  	s7 =	sld [smem:$0x3F9B]  }
0x1a: {  	s8 =	sadd.s32 $0xFFFFE003, lr  }
0x1b: {  	s9 =	sadd.s32 $0xFFFFFEF7, lr;
	s5 =	simm.s32 $0xFFFFFFFF;
	p2 =	slt.u32 s8, $0xFFFFF086  }
0x1c: {  	p1 =	slt.u32 s9, $0xF7A;
	s5 =	simm.s32 @!p2 $0x0  }
0x1d: {  	s5 =	simm.s32 @p1 $0x1;
	p0 =	seq.s32 s7, s2  }
0x1e: {  	s7 =	smul.u32 @!p0 $0xF7A, s2;
	p2 =	seq.s32 @!p0 s5, $0x0  }
0x1f: {  	s9 =	smul.u32 $0xF7A, s1;
	s8 =	simm.s32 @!p0 $0x1BF5;
	p2 =	por !p2, p0  }
0x20: {  	[sflag:s8] =	ssyncset.s32 @!p0 $0xFFFFF086;
	s6 =	sadd.s32 @!p0 s3, s7;
	s7 =	simm.s32 @!p0 $0x108  }
0x21: {  	s3 =	sadd.s32 s3, s9;
	s6 =	sadd.s32 @!p0 $0x88, s6;
	s7 =	simm.s32 @p2 $0x1082  }
0x22: {  	[simem:s7], [sflag:s8] =	dma.local @!p0 [hbm:s6], $0xF7A  }
0x23: {  	s9 =	sor.u32 $0xD0000000, s2;
	s6 =	simm.s32 $0x108;
	_ =	swait.ge @!p0 [sflag:s8], $0x0  }
0x24: {  	s3 =	sadd.s32 $0x88, s3;
	s6 =	simm.s32 @!p1 $0x1082;
	[sflag:s4] =	ssyncset.s32 $0xFFFFF086  }
0x25: {  	[simem:s6], [sflag:s4] =	dma.local [hbm:s3], $0xF7A  }
0x26: {  	[smem:$0x3F9B] =	sst s1;
	(tag) =	ssettag s2;
	_ =	strace s9  }
0x27: {  	s1 =	sld [smem:$0x3FAB]  }
0x28: {  	s2 =	sld [smem:$0x3FAC]  }
0x29: {  	s4 =	sld [smem:$0x3FAE]  }
0x2a: {  	p0 =	seq.s32 s5, $0x0;
	s5 =	sld [smem:$0x3FAF]  }
0x2b: {  	s6 =	sld [smem:$0x3FB0]  }
0x2c: {  	s7 =	sld [smem:$0x3FB1]  }
0x2d: {  	s3 =	simm.s32 $0x108;
	s8 =	sld [smem:$0x3FB2]  }
0x2e: {  	s3 =	simm.s32 @!p0 $0x1082;
	s9 =	sld [smem:$0x3FB3]  }
0x2f: {  	lr =	sadd.s32 s0, s3;
	s0 =	sld [smem:$0x3FAA]  }
0x30: {  	s3 =	sld [smem:$0x3FAD]  }
0x31: {  	[smem:$0x3FB6] =	sst s10  }
0x32: {  	s10 =	sld [smem:$0x3FB4];
	_ =	sdelay $0x3  }
0x33: {  	p0 =	seq.s32 s10, $0x1;
	s10 =	sld [smem:$0x3FB6];
	_ =	sdelay $0x3  }
0x34: {  	[smem:$0x3FB6] =	sst s10  }
0x35: {  	s10 =	sld [smem:$0x3FB5];
	_ =	sdelay $0x3  }
0x36: {  	p1 =	seq.s32 s10, $0x1;
	s10 =	sld [smem:$0x3FB6];
	_ =	sdelay $0x3  }
0x37: {  	[smem:$0x3FB6] =	sst s10  }
0x38: {  	s10 =	sld [smem:$0x3FB7]  }
0x39: {  	_ = 	snop;
	(pc) =	sbr.ind lr, $3  }
0x3a: {  	_ = 	snop  }
0x3b: {  	_ = 	snop  }
0x3c: {  	p2 =	seq.s32 s10, $0x1;
	s10 =	sld [smem:$0x3FB6]  }
0x3d: {  	_ =	shalt  }
0x3e: {  	_ =	shalt  }
0x3f: {  	_ =	shalt  }
0x40: {  	_ =	shalt  }
0x41: {  	_ =	shalt  }
0x42: {  	_ =	shalt  }
0x43: {  	_ =	shalt  }
0x44: {  	_ =	shalt  }
0x45: {  	_ =	shalt  }
0x46: {  	_ =	shalt  }
0x47: {  	_ =	shalt  }
0x48: {  	_ =	shalt  }
0x49: {  	_ =	shalt  }
0x4a: {  	_ =	shalt  }
0x4b: {  	_ =	shalt  }
0x4c: {  	_ =	shalt  }
0x4d: {  	_ =	shalt  }
0x4e: {  	_ =	shalt  }
0x4f: {  	_ =	shalt  }
0x50: {  	_ =	shalt  }
0x51: {  	_ =	shalt  }
0x52: {  	_ =	shalt  }
0x53: {  	_ =	shalt  }
0x54: {  	_ =	shalt  }
0x55: {  	_ =	shalt  }
0x56: {  	_ =	shalt  }
0x57: {  	_ =	shalt  }
0x58: {  	_ =	shalt  }
0x59: {  	_ =	shalt  }
0x5a: {  	_ =	shalt  }
0x5b: {  	_ =	shalt  }
0x5c: {  	_ =	shalt  }
0x5d: {  	_ =	shalt  }
0x5e: {  	_ =	shalt  }
0x5f: {  	_ =	shalt  }
0x60: {  	_ =	shalt  }
0x61: {  	_ =	shalt  }
0x62: {  	_ =	shalt  }
0x63: {  	_ =	shalt  }
0x64: {  	_ =	shalt  }
0x65: {  	_ =	shalt  }
0x66: {  	_ =	shalt  }
0x67: {  	_ =	shalt  }
0x68: {  	_ =	shalt  }
0x69: {  	_ =	shalt  }
0x6a: {  	_ =	shalt  }
0x6b: {  	_ =	shalt  }
0x6c: {  	_ =	shalt  }
0x6d: {  	_ =	shalt  }
0x6e: {  	_ =	shalt  }
0x6f: {  	_ =	shalt  }
0x70: {  	_ =	shalt  }
0x71: {  	_ =	shalt  }
0x72: {  	_ =	shalt  }
0x73: {  	_ =	shalt  }
0x74: {  	_ =	shalt  }
0x75: {  	_ =	shalt  }
0x76: {  	_ =	shalt  }
0x77: {  	_ =	shalt  }
0x78: {  	_ =	shalt  }
0x79: {  	_ =	shalt  }
0x7a: {  	_ =	shalt  }
0x7b: {  	_ =	shalt  }
0x7c: {  	_ =	shalt  }
0x7d: {  	_ =	shalt  }
0x7e: {  	_ =	shalt  }
0x7f: {  	_ =	shalt  }
0x80: {  	_ =	shalt  }
0x81: {  	_ =	shalt  }
0x82: {  	_ =	shalt  }
0x83: {  	_ =	shalt  }
0x84: {  	_ =	shalt  }
0x85: {  	_ =	shalt  }
0x86: {  	_ =	shalt  }
0x87: {  	_ =	shalt  }
.Lfunc_end0:
.L_simem_size_0:
called_computation_lowered:
.L_overlay_start_0:
0x88: {  	s2 =	sld [smem:$0x3FD9]  }
0x89: {  	s3 =	sld [smem:$0x3FFE];
	_ =	sdelay $0x1  }
0x8a: {  	s1 =	srdreg.scid  }
0x8b: {  	s0 =	sand.u32 $0x1, s1  }
0x8c: {  	s14 =	sshll.u32 s0, $0xA;
	s2 =	sadd.s32 s3, s2  }
0x8d: {  	s2 =	sadd.s32 s2, s14  }
0x8e: {  	[smem:$0x3FC2] =	sst s2  }
0x8f: {  	_ = 	snop  }
0x90: {  	s2 =	sld [smem:$0x3FD0];
	_ =	sdelay $0x2  }
0x91: {  	s15 =	simm.s32 $0xA;
	s4 =	simm.s32 $0x10  }
0x92: {  	[smem:s4], [sflag:s15] =	dma.local [hbm:s2], $0x1  }
0x93: {  	_ =	swait.eq [sflag:s15], $0x1  }
0x94: {  	[sflag:s15] =	ssyncset.done $0x0  }
0x95: {  	[sflag:s15] =	ssyncadd.s32 $0xFFFFFFFF  }
0x96: {  	s16 =	sld [smem:$0x10];
	(tm) =	ssettm $0x1  }
0x97: {  	s17 =	sld [smem:$0x3FFB];
	_ =	sdelay $0x3  }
0x98: {  	_ =	strace s17  }
0x99: {  	s3 =	sld [smem:$0x3FFC];
	_ =	sdelay $0x3  }
0x9a: {  	_ =	strace s3  }
0x9b: {  	s3 =	sld [smem:$0x3FFD];
	_ =	sdelay $0x3  }
0x9c: {  	_ =	strace s3  }
0x9d: {  	_ =	strace $0x8FFFFFFF  }
0x9e: {  	s18 =	sld [smem:$0x3FDB];
	_ =	sdelay $0x1  }
0x9f: {  	s19 =	simm.s32 $_scs_section_size  }
0xa0: {  	s5 =	simm.s32 $_size__tile_overlayer_lowered;
	s6 =	simm.s32 $_tile_overlayer_lowered  }
0xa1: {  	s22 =	simm.s32 $0x1BFF;
	s21 =	sshll.u32 s6, $0x1;
	s3 =	sadd.s32 s19, s18  }
0xa2: {  	s7 =	simm.s32 $0x0;
	s20 =	sshll.u32 s5, $0x1;
	s5 =	sadd.s32 s21, s3  }
0xa3: {  	[timem:s7], [sflag:s22] =	dma.local [hbm:s5], s20  }
0xa4: {  	_ =	swait.ge [sflag:s22], s20  }
0xa5: {  	s4 =	ssub.s32 $0x0, s20;
	[sflag:s22] =	ssyncset.done $0x0  }
0xa6: {  	[sflag:s22] =	ssyncadd.s32 s4;
	_ =	sdelay $0x1  }
0xa7: {  	s23 =	simm.s32 $0x1B8B  }
0xa8: {  	_ =	swait.ge [sflag:s23], $0x1  }
0xa9: {  	[sflag:s23] =	ssyncset.done $0x0  }
0xaa: {  	s25 =	simm.s32 $0x1B8E;
	s24 =	sld [smem:$0x3FFE];
	[sflag:s23] =	ssyncadd.s32 $0xFFFFFFFF  }
0xab: {  	s26 =	simm.s32 $execute0_lowered;
	[smem:$0x3FD2] =	sst s25  }
0xac: {  	s5 =	sshll.u32 s26, $0x1;
	_ =	strace $0x80000046;
	[dreg:$0x1] =	wrdreg $0xFFFFFFFF  }
0xad: {  	s28 =	simm.s32 $_size_execute0_lowered;
	s3 =	sadd.s32 s3, s5;
	[dreg:$0x0] =	wrdreg $0x0  }
0xae: {  	s5 =	sshll.u32 s28, $0x1;
	[dreg:$0x2] =	wrdreg s3  }
0xaf: {  	[dreg:$0x3] =	wrdreg s5  }
0xb0: {  	[dreg:$0x4] =	wrdreg $0xC0  }
0xb1: {  	_ =	task [dreg:s7], $0x5FFFF  }
0xb2: {  	[dreg:$0x1] =	wrdreg $0xFFFFFFFF  }
0xb3: {  	[dreg:$0x0] =	wrdreg $0x60  }
0xb4: {  	[dreg:$0x2] =	wrdreg s16  }
0xb5: {  	[dreg:$0x3] =	wrdreg s24  }
0xb6: {  	[dreg:$0x4] =	wrdreg $0x9  }
0xb7: {  	_ =	task.clear_ibuf [dreg:s7], $0x5FFFF;
	_ =	strace $0x90000046  }
0xb8: {  	s29 =	simm.s32 $0x9;
	_ =	strace $0x80000048  }
0xb9: {  	_ =	swait.ge [sflag:s29], $0x1  }
0xba: {  	[sflag:s29] =	ssyncadd.s32 $0xFFFFFFFF  }
0xbb: {  	_ =	strace $0x90000048  }
0xbc: {  	_ =	sfence  }
0xbd: {  	s30 =	sld [smem:$0x0];
	_ =	sdelay $0x2  }
0xbe: {  	s31 =	sshll.u32 s1, $0xD;
	s1 =	sshrl.u32 s1, $0x2  }
0xbf: {  	s3 =	sand.u32 $0x4000, s31;
	s1 =	sadd.s32 s1, s30  }
0xc0: {  	s0 =	sor.u32 s3, s0;
	s1 =	sshll.u32 s1, $0x11  }
0xc1: {  	s0 =	sor.u32 s1, s0  }
0xc2: {  	s0 =	sadd.s32 $0x8F2B, s0  }
0xc3: {  	[sflag:s0] =	ssyncadd.remote.s32 $0x1  }
0xc4: {  	_ =	sfence.sel $0xFFFF  }
0xc5: {  	[dreg:$0x0] =	wrdreg $0xFFFFFFFF;
	(pc) =	sbr.abs _section_cstart, $3  }
0xc6: {  	[dreg:$0x1] =	wrdreg $0xFFFFFFFF  }
0xc7: {  	_ =	task.clear_ibuf [dreg:s7], $0x2FFFF;
	_ =	strace $0x9FFFFFFF  }
0xc8: {  	(tm) =	ssettm $0x7FFFFFFF  }
0xc9: {  	_ =	shalt  }
tec
execute0_lowered:
.L_overlay_start_1:
0x0: {  	(tag) =	ssettag $0x1  }
0x1: {  	s1 =	stileid.u32  }
0x2: {  	p0 =	sgt.u32 s1, $0x7  }
.Ltmp0:
0x3: {  	_ = 	snop;
	(pc) =	sbr.rel @p0 .LBB2_5-.Ltmp0, $4  }
0x4: {  	s6 =	rddreg [dreg:$0x0]  }
0x5: {  	s3 =	rddreg [dreg:$0x1];
	s2 =	simm.s32 $0x0  }
0x6: {  	[smem:$0x7FF] =	sst s2  }
0x7: {  	s0 =	rddreg [dreg:$0x2];
	_ =	strace $0x80000047  }
0x8: {  	s4 =	srdreg.scid  }
0x9: {  	s5 =	sshll.u32 s1, $0x8;
	s7 =	sshrl.u32 s1, $0x2;
	s4 =	sand.u32 $0x1, s4  }
0xa: {  	s10 =	simm.s32 $0x1;
	s5 =	sand.u32 $0x300, s5;
	s8 =	sshll.u32 s4, $0x7  }
0xb: {  	s11 =	simm.s32 $0x4000;
	s29 =	sshll.u32 s7, $0x10;
	s5 =	sor.u32 s8, s5  }
0xc: {  	s12 =	simm.s32 $0x4200;
	s7 =	sshll.u32 s7, $0xC;
	s8 =	sor.u32 s29, s5  }
0xd: {  	s9 =	ssub.s32 $0x2, s4;
	s5 =	sor.u32 s7, s5;
	s30 =	sshrl.u32 s8, $0x3  }
0xe: {  	s31 =	sshrl.u32 s9, $0x1;
	s5 =	sshrl.u32 s5, $0x3;
	s8 =	sadd.s32 s30, s3  }
0xf: {  	s5 =	sadd.s32 s5, s3;
	s6 =	sadd.s32 s6, s30;
	s3 =	sadd.s32 $0x1800, s8  }
0x10: {  	s4 =	sadd.s32 $0x5800, s5;
	s5 =	sadd.s32 $0x5C00, s5;
	s8 =	ssub.s32 s9, s31  }
0x11: {  	v0 =	vlaneseq.u32;
	s9 =	simm.s32 $0x400;
	s7 =	smax.u32 s8, $0x1;
	s8 =	simm.s32 $0x80  }
.LBB2_2:
0x12: {  	s13 =	simm.s32 $0x0  }
0x13: {  	[tilespmem:s13], [sflag:$0x1] =	stream.strided.gather [hbm4b:s6+s8], $0x2000, s9, s8, $0x38;
	[tilespmem:$0x4400] =	vst v63  }
0x14: {  	_ =	swait.ge [sflag:s10], $0x2000  }
0x15: {  	[sflag:s10] =	ssyncset.done $0x0  }
0x16: {  	s14 =	simm.s32 $0x2000;
	[sflag:s10] =	ssyncadd.s32 $0xFFFFE000  }
0x17: {  	[tilespmem:s14], [sflag:$0x1] =	stream.strided.gather [hbm4b:s3+s8], $0x2000, s9, s8, $0x38;
	[tilespmem:$0x4400] =	vst v63  }
0x18: {  	_ =	swait.ge [sflag:s10], $0x2000  }
0x19: {  	[sflag:s10] =	ssyncset.done $0x0  }
0x1a: {  	[sflag:s10] =	ssyncadd.s32 $0xFFFFE000  }
0x1b: {  	v1 =	vld [tilespmem:s14+$0x0];
	_ =	sdelay $0x4  }
0x1c: {  	vm0 =	vgt.s32 v1, $0xFFFFFFFF;
	_ =	sdelay $0x1  }
0x1d: {  	v2 =	vld [tilespmem:s13+$0x0];
	_ =	sdelay $0x2  }
0x1e: {  	v3 =	vor.u32 s13, v0  }
0x1f: {  	[tilespmem:v1+s11+$0x0] =	vst.idx.msk vm0, v3  }
0x20: {  	s15 =	simm.s32 $0x2010;
	[tilespmem:v1+s12+$0x0] =	vst.idx.msk vm0, v2  }
0x21: {  	v1 =	vld [tilespmem:s15+$0x0]  }
0x22: {  	s16 =	simm.s32 $0x20;
	s14 =	simm.s32 $0x10  }
.LBB2_3:
0x23: {  	p0 =	sne.s32 s16, $0x1FF0;
	_ =	sdelay $0x2  }
0x24: {  	vm0 =	vgt.s32 v1, $0xFFFFFFFF  }
0x25: {  	s13 =	sadd.s32 $0x10, s13  }
0x26: {  	v2 =	vld [tilespmem:s13+$0x0];
	_ =	sdelay $0x2  }
.Ltmp1:
0x27: {  	v3 =	vor.u32 s14, v0;
	s14 =	smov.u32 s16;
	(pc) =	sbr.rel @p0 .LBB2_3-.Ltmp1, $4  }
0x28: {  	[tilespmem:v1+s11+$0x0] =	vst.idx.msk vm0, v3  }
0x29: {  	s15 =	sadd.s32 $0x10, s15;
	[tilespmem:v1+s12+$0x0] =	vst.idx.msk vm0, v2  }
0x2a: {  	v1 =	vld [tilespmem:s15+$0x0]  }
0x2b: {  	s16 =	sadd.s32 $0x10, s16  }
0x2c: {  	_ =	sdelay $0x2  }
0x2d: {  	vm0 =	vgt.s32 v1, $0xFFFFFFFF  }
0x2e: {  	s13 =	sadd.s32 $0x10, s13  }
0x2f: {  	v2 =	vld [tilespmem:s13+$0x0];
	_ =	sdelay $0x2  }
0x30: {  	v3 =	vor.u32 s14, v0  }
0x31: {  	[tilespmem:v1+s11+$0x0] =	vst.idx.msk vm0, v3  }
0x32: {  	[tilespmem:v1+s12+$0x0] =	vst.idx.msk vm0, v2  }
0x33: {  	[hbm4b:s4+s8] =	stream.strided.scatter [tilespmem:s11], [sflag:$0x1], $0x200, s9, s8, $0x38;
	[tilespmem:$0x4400] =	vst v63  }
0x34: {  	s2 =	sadd.s32 $0x1, s2;
	_ =	swait.ge [sflag:s10], $0x200  }
0x35: {  	p0 =	sne.s32 s2, s7;
	[sflag:s10] =	ssyncset.done $0x0  }
.Ltmp2:
0x36: {  	[sflag:s10] =	ssyncadd.s32 $0xFFFFFE00;
	(pc) =	sbr.rel @p0 .LBB2_2-.Ltmp2, $4  }
0x37: {  	[hbm4b:s5+s8] =	stream.strided.scatter [tilespmem:s12], [sflag:$0x1], $0x200, s9, s8, $0x38;
	[tilespmem:$0x4400] =	vst v63  }
0x38: {  	_ =	swait.ge [sflag:s10], $0x200  }
0x39: {  	[sflag:s10] =	ssyncset.done $0x0  }
0x3a: {  	[sflag:s10] =	ssyncadd.s32 $0xFFFFFE00  }
.LBB2_5:
0x3b: {  	_ =	sfence.sel $0x180000  }
0x3c: {  	[bflag:$0x0] =	sbarrier.arrive $0xFFFF  }
0x3d: {  	p0 =	sne.s32 s1, $0x0;
	_ =	strace $0x90000047  }
0x3e: {  	s0 =	sadd.s32 @!p0 $0x100000, s0;
	[bflag:$0x2] =	sbarrier.arrive $0xFFFF  }
0x3f: {  	[sflag:s0] =	ssyncadd.tile.s32 @!p0 $0x1;
	_ =	shalt  }
.Lfunc_end2:
_tile_overlayer_lowered:
.L_overlay_start_2:
0x40: {  	(tag) =	ssettag $0x2  }
0x41: {  	s0 =	rddreg [dreg:$0x0];
	s2 =	stileid.u32  }
0x42: {  	s1 =	rddreg [dreg:$0x1];
	p0 =	sne.s32 s2, $0x0  }
0x43: {  	s3 =	rddreg [dreg:$0x2];
	[bflag:$0x3] =	sbarrier.arrive $0xFFFF;
	s2 =	simm.s32 @!p0 $0x1C01  }
0x44: {  	[timem:s3], [sflag:s2] =	dma.local @!p0 [hbm:s0], s1  }
0x45: {  	s0 =	simm.s32 @!p0 $0x1  }
0x46: {  	_ =	swait.ge @!p0 [sflag:s0], s1  }
0x47: {  	s1 =	ssub.s32 @!p0 $0x0, s1;
	[sflag:s0] =	ssyncset.done @!p0 $0x0  }
0x48: {  	[sflag:s0] =	ssyncadd.s32 @!p0 s1  }
0x49: {  	[bflag:$0x3] =	sbarrier.arrive $0xFFFF  }
0x4a: {  	_ =	shalt  }

</sc_bundles>
